<compile_context>
chip_gen: v7x
topology: tpu7x:2x2x1
jax: 0.10.2.dev20260603
libtpu: 0.0.44.dev20260713+nightly
codegen_flags: <defaults>
</compile_context>

<pallas_src>
import functools

import jax
import jax.numpy as jnp
from jax import lax
from jax.experimental import pallas as pl
from jax.experimental.pallas import tpu as pltpu
from jax.experimental.pallas import tpu_sc as plsc

BATCH = 4096
SEQ = 200
EMBED_DIM = 64
HIDDEN = 256
NUM_CLASSES = 128
EPS = 1e-5

NC = 2
NS = 16
NW = NC * NS
SAMPLES_PER_W = BATCH // NW
IDX_PER_W = SAMPLES_PER_W * SEQ
CHUNK = 128
NCHUNK = IDX_PER_W // CHUNK


def _sc_pool(table, flat_idx, dst):
    mesh = plsc.VectorSubcoreMesh(core_axis_name="c", subcore_axis_name="s")

    NBUF = 8

    @functools.partial(
        pl.kernel,
        out_type=jax.ShapeDtypeStruct((BATCH, EMBED_DIM), jnp.float32),
        mesh=mesh,
        compiler_params=pltpu.CompilerParams(use_tc_tiling_on_sc=False),
        scratch_types=[
            pltpu.VMEM((NCHUNK, CHUNK), jnp.int32),
            pltpu.VMEM((CHUNK,), jnp.int32),
            pltpu.VMEM((NBUF, CHUNK, EMBED_DIM), jnp.float32),
            pltpu.VMEM((CHUNK, EMBED_DIM), jnp.float32),
            pltpu.VMEM_SHARED((BATCH // NC, EMBED_DIM), jnp.float32),
        ] + [pltpu.SemaphoreType.DMA] * NBUF,
    )
    def k(table_hbm, idx_hbm, dst_hbm, out_hbm,
          idx_all, dst_v, rows, zbuf, acc, *gsem):
        cid = lax.axis_index("c")
        sid = lax.axis_index("s")
        sample_base = (cid * NS + sid) * SAMPLES_PER_W
        slab = pl.ds(sid * SAMPLES_PER_W, SAMPLES_PER_W)

        zeros = jnp.zeros((16,), jnp.float32)

        @pl.loop(0, CHUNK)
        def _(r):
            for c0 in range(0, EMBED_DIM, 16):
                zbuf[r, pl.ds(c0, 16)] = zeros

        pltpu.sync_copy(zbuf, acc.at[slab])
        pltpu.sync_copy(idx_hbm.at[cid * NS + sid], idx_all)
        pltpu.sync_copy(dst_hbm.at[sid], dst_v)

        def fire(c, b):
            pltpu.async_copy(table_hbm.at[idx_all.at[c]], rows.at[b], gsem[b])

        def drain(c, b):
            del c
            pltpu.make_async_copy(
                table_hbm.at[idx_all.at[0]],
                rows.at[b], gsem[b]).wait()
            pltpu.sync_copy(rows.at[b], acc.at[dst_v], add=True)

        for b in range(NBUF):
            fire(b, b)

        @pl.loop(0, NCHUNK - NBUF, step=NBUF)
        def _(c0):
            for b in range(NBUF):
                drain(c0 + b, b)
                fire(c0 + b + NBUF, b)

        for b in range(NBUF):
            drain(NCHUNK - NBUF + b, b)

        pltpu.sync_copy(zbuf, acc.at[dst_v], add=True)

        pltpu.sync_copy(acc.at[slab],
                        out_hbm.at[pl.ds(sample_base, SAMPLES_PER_W)])

    return k(table, flat_idx, dst)


_TBLK = 16384
_TGRID = 62
_VPAD = _TGRID * _TBLK


def _tc_detile(tt):

    def body(t_ref, o_ref):
        t = t_ref[...]
        o_ref[:, :EMBED_DIM] = t[:, : _TBLK // 2].T
        o_ref[:, EMBED_DIM:] = t[:, _TBLK // 2:].T

    return pl.pallas_call(
        body,
        grid=(_TGRID,),
        in_specs=[pl.BlockSpec((EMBED_DIM, _TBLK), lambda i: (0, i))],
        out_specs=pl.BlockSpec((_TBLK // 2, 2 * EMBED_DIM), lambda i: (i, 0)),
        out_shape=jax.ShapeDtypeStruct((_VPAD // 2, 2 * EMBED_DIM),
                                       jnp.float32),
    )(tt)


def _tc_mlp(pooled, W1, b1, g1, be1, W2, b2, g2, be2):
    def body(p_ref, w1_ref, b1_ref, g1_ref, be1_ref,
             w2_ref, b2_ref, g2_ref, be2_ref, o_ref):
        p = p_ref[...] * (1.0 / SEQ)
        h = lax.dot_general(p, w1_ref[...], (((1,), (1,)), ((), ())),
                            preferred_element_type=jnp.float32) + b1_ref[...]
        mu = jnp.mean(h, axis=0, keepdims=True)
        var = jnp.mean((h - mu) ** 2, axis=0, keepdims=True)
        h = g1_ref[...] * (h - mu) * lax.rsqrt(var + EPS) + be1_ref[...]
        h = jnp.maximum(h, 0.0)
        o = lax.dot_general(h, w2_ref[...], (((1,), (1,)), ((), ())),
                            preferred_element_type=jnp.float32) + b2_ref[...]
        mu2 = jnp.mean(o, axis=0, keepdims=True)
        var2 = jnp.mean((o - mu2) ** 2, axis=0, keepdims=True)
        o_ref[...] = g2_ref[...] * (o - mu2) * lax.rsqrt(var2 + EPS) + be2_ref[...]

    return pl.pallas_call(
        body,
        out_shape=jax.ShapeDtypeStruct((BATCH, NUM_CLASSES), jnp.float32),
    )(pooled, W1, b1.reshape(1, -1), g1.reshape(1, -1), be1.reshape(1, -1),
      W2, b2.reshape(1, -1), g2.reshape(1, -1), be2.reshape(1, -1))


def kernel(x, table, W1, b1, g1, be1, W2, b2, g2, be2):
    tbl = _tc_detile(table.T).reshape(_VPAD, EMBED_DIM)
    x = x.astype(jnp.int32)
    s = jnp.bitwise_and(x, _TBLK - 1)
    base = x - s
    xr = base + jnp.where(s < _TBLK // 2, 2 * s, 2 * (s - _TBLK // 2) + 1)
    flat = (xr.reshape(NW, SAMPLES_PER_W, SEQ)
            .transpose(0, 2, 1)
            .astype(jnp.int32))
    dst = (jnp.arange(NS, dtype=jnp.int32)[:, None] * SAMPLES_PER_W
           + jnp.arange(CHUNK, dtype=jnp.int32)[None, :])
    pooled = _sc_pool(tbl, flat, dst)
    return _tc_mlp(pooled, W1, b1, g1, be1, W2, b2, g2, be2)

# --- scband reference (transcript-rebuilt; emitter-appended) ---
"""Pipeline reference for scband-fast-text-3083786518871 (READ-ONLY COPY).

The authoritative reference and input builder live on the scoring server;
editing this copy changes nothing except your own understanding.
"""

import jax, jax.numpy as jnp
import numpy as np

N_VOCAB = 1000000
EMBED_DIM = 64
HIDDEN = 256
NUM_CLASSES = 128
BATCH = 4096
SEQ = 200
EPS = 1e-5


def setup_inputs(seed: int = 0) -> dict:
    key = jax.random.key(seed)
    ks = jax.random.split(key, 10)
    x = jax.random.randint(ks[0], (BATCH, SEQ), 0, N_VOCAB, dtype=jnp.int64 if jax.config.read('jax_enable_x64') else jnp.int32)
    table = jax.random.normal(ks[1], (N_VOCAB, EMBED_DIM), dtype=jnp.float32)
    # padding_idx = N_VOCAB - 1 -> zero row
    table = table.at[N_VOCAB - 1].set(0.0)
    W1 = jax.random.normal(ks[2], (HIDDEN, EMBED_DIM), dtype=jnp.float32) * (1.0 / np.sqrt(EMBED_DIM))
    b1 = jnp.zeros((HIDDEN,), dtype=jnp.float32)
    g1 = jnp.ones((HIDDEN,), dtype=jnp.float32)
    be1 = jnp.zeros((HIDDEN,), dtype=jnp.float32)
    W2 = jax.random.normal(ks[3], (NUM_CLASSES, HIDDEN), dtype=jnp.float32) * (1.0 / np.sqrt(HIDDEN))
    b2 = jnp.zeros((NUM_CLASSES,), dtype=jnp.float32)
    g2 = jnp.ones((NUM_CLASSES,), dtype=jnp.float32)
    be2 = jnp.zeros((NUM_CLASSES,), dtype=jnp.float32)
    return {"x": x, "table": table, "W1": W1, "b1": b1, "g1": g1, "be1": be1,
            "W2": W2, "b2": b2, "g2": g2, "be2": be2}


def _batchnorm(h, g, b):
    mu = jnp.mean(h, axis=0, keepdims=True)
    var = jnp.var(h, axis=0, keepdims=True)  # biased, matches torch BN training normalization
    return g * (h - mu) / jnp.sqrt(var + EPS) + b


def reference(x, table, W1, b1, g1, be1, W2, b2, g2, be2):
    emb = jnp.take(table, x, axis=0)          # [B, L, D] gather (SparseCore-friendly)
    out = jnp.mean(emb, axis=1)               # [B, D]
    # dropout: identity in eval / deterministic reference
    h = out @ W1.T + b1                        # [B, HIDDEN]
    h = _batchnorm(h, g1, be1)
    h = jax.nn.relu(h)
    o = h @ W2.T + b2                          # [B, NUM_CLASSES]
    o = _batchnorm(o, g2, be2)
    return o

if __name__ == "__main__":
    import jax
    _d = setup_inputs()
    print(jax.jit(kernel)(*tuple(_d.values())))

</pallas_src>

<mosaic_0001>
#map = affine_map<(d0, d1) -> (0, 0)>
#map1 = affine_map<(d0, d1) -> (0, 0, 0)>
module attributes {stable_mosaic.version = 14 : i64} {
  func.func @k(%arg0: i32, %arg1: i32, %arg2: memref<1015808x64xf32, #tpu.memory_space<hbm>>, %arg3: memref<32x200x128xi32, #tpu.memory_space<hbm>>, %arg4: memref<16x128xi32, #tpu.memory_space<hbm>>, %arg5: memref<4096x64xf32, #tpu.memory_space<hbm>>, %arg6: memref<200x128xi32, #tpu.memory_space<vmem>>, %arg7: memref<128xi32, #tpu.memory_space<vmem>>, %arg8: memref<8x128x64xf32, #tpu.memory_space<vmem>>, %arg9: memref<128x64xf32, #tpu.memory_space<vmem>>, %arg10: memref<2048x64xf32, #tpu.memory_space<vmem_shared>>, %arg11: memref<!tpu.dma_semaphore, #tpu.memory_space<semaphore_mem>>, %arg12: memref<!tpu.dma_semaphore, #tpu.memory_space<semaphore_mem>>, %arg13: memref<!tpu.dma_semaphore, #tpu.memory_space<semaphore_mem>>, %arg14: memref<!tpu.dma_semaphore, #tpu.memory_space<semaphore_mem>>, %arg15: memref<!tpu.dma_semaphore, #tpu.memory_space<semaphore_mem>>, %arg16: memref<!tpu.dma_semaphore, #tpu.memory_space<semaphore_mem>>, %arg17: memref<!tpu.dma_semaphore, #tpu.memory_space<semaphore_mem>>, %arg18: memref<!tpu.dma_semaphore, #tpu.memory_space<semaphore_mem>>) attributes {dimension_semantics = [#tpu.dimension_semantics<core_parallel>, #tpu.dimension_semantics<subcore_parallel>], iteration_bounds = array<i64: 2, 16>, scalar_prefetch = 0 : i64, scratch_operands = 13 : i64, tpu.core_type = #tpu.core_type<sc_vector_subcore>, window_params = [{transform_indices = #map}, {transform_indices = #map1}, {transform_indices = #map}, {transform_indices = #map}]} {
    %mul3A = arith.constant 16 : i32
    %mul3A_0 = arith.muli %arg0, %mul3A : i32
    %add3A = arith.addi %mul3A_0, %arg1 : i32
    %mul3A_1 = arith.constant 128 : i32
    %mul3A_2 = arith.muli %add3A, %mul3A_1 : i32
    %mul3A_3 = arith.constant 128 : i32
    %mul3A_4 = arith.muli %arg1, %mul3A_3 : i32
    %broadcast_in_dim3A = arith.constant 0.000000e+00 : f32
    %broadcast_in_dim3A_5 = vector.broadcast %broadcast_in_dim3A : f32 to vector<16xf32>
    %scan3A = arith.constant 0 : i32
    %scan3A_6 = arith.constant 128 : i32
    %scan3A_7 = arith.addi %scan3A, %scan3A_6 : i32
    %scan3A_8 = arith.constant 1 : i32
    scf.for %scan3A_215 = %scan3A to %scan3A_7 step %scan3A_8  : i32 {
      %mul3A_216 = arith.constant 1 : i32
      %mul3A_217 = arith.muli %scan3A_215, %mul3A_216 : i32
      %add3A_218 = arith.constant 0 : i32
      %add3A_219 = arith.addi %add3A_218, %mul3A_217 : i32
      %swap3A = arith.index_cast %add3A_219 : i32 to index
      %swap3A_220 = arith.constant 0 : index
      %swap3A_221 = tpu.vector_load %arg9[%swap3A, %swap3A_220] {strides = array<i32>} : memref<128x64xf32, #tpu.memory_space<vmem>>, vector<1x16xf32>,
      %swap3A_222 = vector.shape_cast %swap3A_221 : vector<1x16xf32> to vector<16xf32>
      %swap3A_223 = vector.shape_cast %broadcast_in_dim3A_5 : vector<16xf32> to vector<1x16xf32>
      tpu.vector_store %arg9[%swap3A, %swap3A_220], %swap3A_223 {strides = array<i32>} : memref<128x64xf32, #tpu.memory_space<vmem>>, vector<1x16xf32>,
      %swap3A_224 = arith.index_cast %add3A_219 : i32 to index
      %swap3A_225 = arith.constant 16 : index
      %swap3A_226 = tpu.vector_load %arg9[%swap3A_224, %swap3A_225] {strides = array<i32>} : memref<128x64xf32, #tpu.memory_space<vmem>>, vector<1x16xf32>,
      %swap3A_227 = vector.shape_cast %swap3A_226 : vector<1x16xf32> to vector<16xf32>
      %swap3A_228 = vector.shape_cast %broadcast_in_dim3A_5 : vector<16xf32> to vector<1x16xf32>
      tpu.vector_store %arg9[%swap3A_224, %swap3A_225], %swap3A_228 {strides = array<i32>} : memref<128x64xf32, #tpu.memory_space<vmem>>, vector<1x16xf32>,
      %swap3A_229 = arith.index_cast %add3A_219 : i32 to index
      %swap3A_230 = arith.constant 32 : index
      %swap3A_231 = tpu.vector_load %arg9[%swap3A_229, %swap3A_230] {strides = array<i32>} : memref<128x64xf32, #tpu.memory_space<vmem>>, vector<1x16xf32>,
      %swap3A_232 = vector.shape_cast %swap3A_231 : vector<1x16xf32> to vector<16xf32>
      %swap3A_233 = vector.shape_cast %broadcast_in_dim3A_5 : vector<16xf32> to vector<1x16xf32>
      tpu.vector_store %arg9[%swap3A_229, %swap3A_230], %swap3A_233 {strides = array<i32>} : memref<128x64xf32, #tpu.memory_space<vmem>>, vector<1x16xf32>,
      %swap3A_234 = arith.index_cast %add3A_219 : i32 to index
      %swap3A_235 = arith.constant 48 : index
      %swap3A_236 = tpu.vector_load %arg9[%swap3A_234, %swap3A_235] {strides = array<i32>} : memref<128x64xf32, #tpu.memory_space<vmem>>, vector<1x16xf32>,
      %swap3A_237 = vector.shape_cast %swap3A_236 : vector<1x16xf32> to vector<16xf32>
      %swap3A_238 = vector.shape_cast %broadcast_in_dim3A_5 : vector<16xf32> to vector<1x16xf32>
      tpu.vector_store %arg9[%swap3A_234, %swap3A_235], %swap3A_238 {strides = array<i32>} : memref<128x64xf32, #tpu.memory_space<vmem>>, vector<1x16xf32>,
    }
    %scan3A_9 = arith.constant 128 : i32
    "tpu.region"() ({
      %run_scoped3A_215 = tpu.sem_alloc : memref<!tpu.dma_semaphore, #tpu.memory_space<semaphore_mem>>
      %dma_start3A_216 = arith.constant 0 : i32
      %dma_start3A_217 = tpu.memref_slice %arg10[%mul3A_4, %dma_start3A_216] : memref<2048x64xf32, #tpu.memory_space<vmem_shared>> -> memref<128x64xf32, #tpu.memory_space<vmem_shared>>
      %dma_start3A_218 = arith.constant 0 : i32
      %dma_start3A_219 = tpu.memref_slice %arg10[%mul3A_4, %dma_start3A_218] : memref<2048x64xf32, #tpu.memory_space<vmem_shared>> -> memref<128x64xf32, #tpu.memory_space<vmem_shared>>
      tpu.enqueue_dma source(%arg9 : memref<128x64xf32, #tpu.memory_space<vmem>>) target(%dma_start3A_219 : memref<128x64xf32, #tpu.memory_space<vmem_shared>>) target_semaphore(%run_scoped3A_215 : memref<!tpu.dma_semaphore, #tpu.memory_space<semaphore_mem>>)
      %dma_wait3A_220 = arith.constant 0 : i32
      %dma_wait3A_221 = tpu.memref_slice %arg10[%mul3A_4, %dma_wait3A_220] : memref<2048x64xf32, #tpu.memory_space<vmem_shared>> -> memref<128x64xf32, #tpu.memory_space<vmem_shared>>
      %dma_wait3A_222 = arith.constant 0 : i32
      %dma_wait3A_223 = tpu.memref_slice %arg10[%mul3A_4, %dma_wait3A_222] : memref<2048x64xf32, #tpu.memory_space<vmem_shared>> -> memref<128x64xf32, #tpu.memory_space<vmem_shared>>
      tpu.wait_dma2 semaphore(%run_scoped3A_215 : memref<!tpu.dma_semaphore, #tpu.memory_space<semaphore_mem>>) src(%arg9 : memref<128x64xf32, #tpu.memory_space<vmem>>) dst(%dma_wait3A_223 : memref<128x64xf32, #tpu.memory_space<vmem_shared>>)
      tpu.yield
    }) : () -> ()
    %mul3A_10 = arith.constant 16 : i32
    %mul3A_11 = arith.muli %arg0, %mul3A_10 : i32
    %add3A_12 = arith.addi %mul3A_11, %arg1 : i32
    "tpu.region"() ({
      %run_scoped3A_215 = tpu.sem_alloc : memref<!tpu.dma_semaphore, #tpu.memory_space<semaphore_mem>>
      %dma_start3A_216 = arith.constant 0 : i32
      %dma_start3A_217 = arith.constant 0 : i32
      %dma_start3A_218 = tpu.memref_slice %arg3[%add3A_12, %dma_start3A_216, %dma_start3A_217] : memref<32x200x128xi32, #tpu.memory_space<hbm>> -> memref<1x200x128xi32, #tpu.memory_space<hbm>>
      %dma_start3A_219 = tpu.memref_squeeze %dma_start3A_218 : memref<1x200x128xi32, #tpu.memory_space<hbm>> -> memref<200x128xi32, #tpu.memory_space<hbm>>
      %dma_start3A_220 = arith.constant 0 : i32
      %dma_start3A_221 = arith.constant 0 : i32
      %dma_start3A_222 = tpu.memref_slice %arg3[%add3A_12, %dma_start3A_220, %dma_start3A_221] : memref<32x200x128xi32, #tpu.memory_space<hbm>> -> memref<1x200x128xi32, #tpu.memory_space<hbm>>
      %dma_start3A_223 = tpu.memref_squeeze %dma_start3A_222 : memref<1x200x128xi32, #tpu.memory_space<hbm>> -> memref<200x128xi32, #tpu.memory_space<hbm>>
      tpu.enqueue_dma source(%dma_start3A_223 : memref<200x128xi32, #tpu.memory_space<hbm>>) target(%arg6 : memref<200x128xi32, #tpu.memory_space<vmem>>) target_semaphore(%run_scoped3A_215 : memref<!tpu.dma_semaphore, #tpu.memory_space<semaphore_mem>>)
      %dma_wait3A_224 = arith.constant 0 : i32
      %dma_wait3A_225 = arith.constant 0 : i32
      %dma_wait3A_226 = tpu.memref_slice %arg3[%add3A_12, %dma_wait3A_224, %dma_wait3A_225] : memref<32x200x128xi32, #tpu.memory_space<hbm>> -> memref<1x200x128xi32, #tpu.memory_space<hbm>>
      %dma_wait3A_227 = tpu.memref_squeeze %dma_wait3A_226 : memref<1x200x128xi32, #tpu.memory_space<hbm>> -> memref<200x128xi32, #tpu.memory_space<hbm>>
      %dma_wait3A_228 = arith.constant 0 : i32
      %dma_wait3A_229 = arith.constant 0 : i32
      %dma_wait3A_230 = tpu.memref_slice %arg3[%add3A_12, %dma_wait3A_228, %dma_wait3A_229] : memref<32x200x128xi32, #tpu.memory_space<hbm>> -> memref<1x200x128xi32, #tpu.memory_space<hbm>>
      %dma_wait3A_231 = tpu.memref_squeeze %dma_wait3A_230 : memref<1x200x128xi32, #tpu.memory_space<hbm>> -> memref<200x128xi32, #tpu.memory_space<hbm>>
      tpu.wait_dma2 semaphore(%run_scoped3A_215 : memref<!tpu.dma_semaphore, #tpu.memory_space<semaphore_mem>>) src(%dma_wait3A_231 : memref<200x128xi32, #tpu.memory_space<hbm>>) dst(%arg6 : memref<200x128xi32, #tpu.memory_space<vmem>>)
      tpu.yield
    }) : () -> ()
    "tpu.region"() ({
      %run_scoped3A_215 = tpu.sem_alloc : memref<!tpu.dma_semaphore, #tpu.memory_space<semaphore_mem>>
      %dma_start3A_216 = arith.constant 0 : i32
      %dma_start3A_217 = tpu.memref_slice %arg4[%arg1, %dma_start3A_216] : memref<16x128xi32, #tpu.memory_space<hbm>> -> memref<1x128xi32, #tpu.memory_space<hbm>>
      %dma_start3A_218 = tpu.memref_squeeze %dma_start3A_217 : memref<1x128xi32, #tpu.memory_space<hbm>> -> memref<128xi32, #tpu.memory_space<hbm>>
      %dma_start3A_219 = arith.constant 0 : i32
      %dma_start3A_220 = tpu.memref_slice %arg4[%arg1, %dma_start3A_219] : memref<16x128xi32, #tpu.memory_space<hbm>> -> memref<1x128xi32, #tpu.memory_space<hbm>>
      %dma_start3A_221 = tpu.memref_squeeze %dma_start3A_220 : memref<1x128xi32, #tpu.memory_space<hbm>> -> memref<128xi32, #tpu.memory_space<hbm>>
      tpu.enqueue_dma source(%dma_start3A_221 : memref<128xi32, #tpu.memory_space<hbm>>) target(%arg7 : memref<128xi32, #tpu.memory_space<vmem>>) target_semaphore(%run_scoped3A_215 : memref<!tpu.dma_semaphore, #tpu.memory_space<semaphore_mem>>)
      %dma_wait3A_222 = arith.constant 0 : i32
      %dma_wait3A_223 = tpu.memref_slice %arg4[%arg1, %dma_wait3A_222] : memref<16x128xi32, #tpu.memory_space<hbm>> -> memref<1x128xi32, #tpu.memory_space<hbm>>
      %dma_wait3A_224 = tpu.memref_squeeze %dma_wait3A_223 : memref<1x128xi32, #tpu.memory_space<hbm>> -> memref<128xi32, #tpu.memory_space<hbm>>
      %dma_wait3A_225 = arith.constant 0 : i32
      %dma_wait3A_226 = tpu.memref_slice %arg4[%arg1, %dma_wait3A_225] : memref<16x128xi32, #tpu.memory_space<hbm>> -> memref<1x128xi32, #tpu.memory_space<hbm>>
      %dma_wait3A_227 = tpu.memref_squeeze %dma_wait3A_226 : memref<1x128xi32, #tpu.memory_space<hbm>> -> memref<128xi32, #tpu.memory_space<hbm>>
      tpu.wait_dma2 semaphore(%run_scoped3A_215 : memref<!tpu.dma_semaphore, #tpu.memory_space<semaphore_mem>>) src(%dma_wait3A_227 : memref<128xi32, #tpu.memory_space<hbm>>) dst(%arg7 : memref<128xi32, #tpu.memory_space<vmem>>)
      tpu.yield
    }) : () -> ()
    %dma_start3A = arith.constant 0 : i32
    %dma_start3A_13 = arith.constant 0 : i32
    %dma_start3A_14 = arith.constant 0 : i32
    %dma_start3A_15 = arith.constant 0 : i32
    %dma_start3A_16 = tpu.memref_slice %arg8[%dma_start3A_13, %dma_start3A_14, %dma_start3A_15] : memref<8x128x64xf32, #tpu.memory_space<vmem>> -> memref<1x128x64xf32, #tpu.memory_space<vmem>>
    %dma_start3A_17 = tpu.memref_squeeze %dma_start3A_16 : memref<1x128x64xf32, #tpu.memory_space<vmem>> -> memref<128x64xf32, #tpu.memory_space<vmem>>
    %dma_start3A_18 = arith.constant 0 : i32
    %dma_start3A_19 = tpu.memref_slice %arg6[%dma_start3A, %dma_start3A_18] : memref<200x128xi32, #tpu.memory_space<vmem>> -> memref<1x128xi32, #tpu.memory_space<vmem>>
    %dma_start3A_20 = tpu.memref_squeeze %dma_start3A_19 : memref<1x128xi32, #tpu.memory_space<vmem>> -> memref<128xi32, #tpu.memory_space<vmem>>
    %dma_start3A_21 = arith.constant 0 : i32
    %dma_start3A_22 = arith.constant 0 : i32
    %dma_start3A_23 = tpu.memref_slice %arg2[%dma_start3A_21, %dma_start3A_22] : memref<1015808x64xf32, #tpu.memory_space<hbm>> -> memref<1015808x64xf32, #tpu.memory_space<hbm>>
    tpu.enqueue_indirect_dma source(%dma_start3A_23 : memref<1015808x64xf32, #tpu.memory_space<hbm>>) target(%dma_start3A_17 : memref<128x64xf32, #tpu.memory_space<vmem>>) offsets(%dma_start3A_20 : memref<128xi32, #tpu.memory_space<vmem>>) semaphore(%arg11 : memref<!tpu.dma_semaphore, #tpu.memory_space<semaphore_mem>>)
    %dma_start3A_24 = arith.constant 1 : i32
    %dma_start3A_25 = arith.constant 1 : i32
    %dma_start3A_26 = arith.constant 0 : i32
    %dma_start3A_27 = arith.constant 0 : i32
    %dma_start3A_28 = tpu.memref_slice %arg8[%dma_start3A_25, %dma_start3A_26, %dma_start3A_27] : memref<8x128x64xf32, #tpu.memory_space<vmem>> -> memref<1x128x64xf32, #tpu.memory_space<vmem>>
    %dma_start3A_29 = tpu.memref_squeeze %dma_start3A_28 : memref<1x128x64xf32, #tpu.memory_space<vmem>> -> memref<128x64xf32, #tpu.memory_space<vmem>>
    %dma_start3A_30 = arith.constant 0 : i32
    %dma_start3A_31 = tpu.memref_slice %arg6[%dma_start3A_24, %dma_start3A_30] : memref<200x128xi32, #tpu.memory_space<vmem>> -> memref<1x128xi32, #tpu.memory_space<vmem>>
    %dma_start3A_32 = tpu.memref_squeeze %dma_start3A_31 : memref<1x128xi32, #tpu.memory_space<vmem>> -> memref<128xi32, #tpu.memory_space<vmem>>
    %dma_start3A_33 = arith.constant 0 : i32
    %dma_start3A_34 = arith.constant 0 : i32
    %dma_start3A_35 = tpu.memref_slice %arg2[%dma_start3A_33, %dma_start3A_34] : memref<1015808x64xf32, #tpu.memory_space<hbm>> -> memref<1015808x64xf32, #tpu.memory_space<hbm>>
    tpu.enqueue_indirect_dma source(%dma_start3A_35 : memref<1015808x64xf32, #tpu.memory_space<hbm>>) target(%dma_start3A_29 : memref<128x64xf32, #tpu.memory_space<vmem>>) offsets(%dma_start3A_32 : memref<128xi32, #tpu.memory_space<vmem>>) semaphore(%arg12 : memref<!tpu.dma_semaphore, #tpu.memory_space<semaphore_mem>>)
    %dma_start3A_36 = arith.constant 2 : i32
    %dma_start3A_37 = arith.constant 2 : i32
    %dma_start3A_38 = arith.constant 0 : i32
    %dma_start3A_39 = arith.constant 0 : i32
    %dma_start3A_40 = tpu.memref_slice %arg8[%dma_start3A_37, %dma_start3A_38, %dma_start3A_39] : memref<8x128x64xf32, #tpu.memory_space<vmem>> -> memref<1x128x64xf32, #tpu.memory_space<vmem>>
    %dma_start3A_41 = tpu.memref_squeeze %dma_start3A_40 : memref<1x128x64xf32, #tpu.memory_space<vmem>> -> memref<128x64xf32, #tpu.memory_space<vmem>>
    %dma_start3A_42 = arith.constant 0 : i32
    %dma_start3A_43 = tpu.memref_slice %arg6[%dma_start3A_36, %dma_start3A_42] : memref<200x128xi32, #tpu.memory_space<vmem>> -> memref<1x128xi32, #tpu.memory_space<vmem>>
    %dma_start3A_44 = tpu.memref_squeeze %dma_start3A_43 : memref<1x128xi32, #tpu.memory_space<vmem>> -> memref<128xi32, #tpu.memory_space<vmem>>
    %dma_start3A_45 = arith.constant 0 : i32
    %dma_start3A_46 = arith.constant 0 : i32
    %dma_start3A_47 = tpu.memref_slice %arg2[%dma_start3A_45, %dma_start3A_46] : memref<1015808x64xf32, #tpu.memory_space<hbm>> -> memref<1015808x64xf32, #tpu.memory_space<hbm>>
    tpu.enqueue_indirect_dma source(%dma_start3A_47 : memref<1015808x64xf32, #tpu.memory_space<hbm>>) target(%dma_start3A_41 : memref<128x64xf32, #tpu.memory_space<vmem>>) offsets(%dma_start3A_44 : memref<128xi32, #tpu.memory_space<vmem>>) semaphore(%arg13 : memref<!tpu.dma_semaphore, #tpu.memory_space<semaphore_mem>>)
    %dma_start3A_48 = arith.constant 3 : i32
    %dma_start3A_49 = arith.constant 3 : i32
    %dma_start3A_50 = arith.constant 0 : i32
    %dma_start3A_51 = arith.constant 0 : i32
    %dma_start3A_52 = tpu.memref_slice %arg8[%dma_start3A_49, %dma_start3A_50, %dma_start3A_51] : memref<8x128x64xf32, #tpu.memory_space<vmem>> -> memref<1x128x64xf32, #tpu.memory_space<vmem>>
    %dma_start3A_53 = tpu.memref_squeeze %dma_start3A_52 : memref<1x128x64xf32, #tpu.memory_space<vmem>> -> memref<128x64xf32, #tpu.memory_space<vmem>>
    %dma_start3A_54 = arith.constant 0 : i32
    %dma_start3A_55 = tpu.memref_slice %arg6[%dma_start3A_48, %dma_start3A_54] : memref<200x128xi32, #tpu.memory_space<vmem>> -> memref<1x128xi32, #tpu.memory_space<vmem>>
    %dma_start3A_56 = tpu.memref_squeeze %dma_start3A_55 : memref<1x128xi32, #tpu.memory_space<vmem>> -> memref<128xi32, #tpu.memory_space<vmem>>
    %dma_start3A_57 = arith.constant 0 : i32
    %dma_start3A_58 = arith.constant 0 : i32
    %dma_start3A_59 = tpu.memref_slice %arg2[%dma_start3A_57, %dma_start3A_58] : memref<1015808x64xf32, #tpu.memory_space<hbm>> -> memref<1015808x64xf32, #tpu.memory_space<hbm>>
    tpu.enqueue_indirect_dma source(%dma_start3A_59 : memref<1015808x64xf32, #tpu.memory_space<hbm>>) target(%dma_start3A_53 : memref<128x64xf32, #tpu.memory_space<vmem>>) offsets(%dma_start3A_56 : memref<128xi32, #tpu.memory_space<vmem>>) semaphore(%arg14 : memref<!tpu.dma_semaphore, #tpu.memory_space<semaphore_mem>>)
    %dma_start3A_60 = arith.constant 4 : i32
    %dma_start3A_61 = arith.constant 4 : i32
    %dma_start3A_62 = arith.constant 0 : i32
    %dma_start3A_63 = arith.constant 0 : i32
    %dma_start3A_64 = tpu.memref_slice %arg8[%dma_start3A_61, %dma_start3A_62, %dma_start3A_63] : memref<8x128x64xf32, #tpu.memory_space<vmem>> -> memref<1x128x64xf32, #tpu.memory_space<vmem>>
    %dma_start3A_65 = tpu.memref_squeeze %dma_start3A_64 : memref<1x128x64xf32, #tpu.memory_space<vmem>> -> memref<128x64xf32, #tpu.memory_space<vmem>>
    %dma_start3A_66 = arith.constant 0 : i32
    %dma_start3A_67 = tpu.memref_slice %arg6[%dma_start3A_60, %dma_start3A_66] : memref<200x128xi32, #tpu.memory_space<vmem>> -> memref<1x128xi32, #tpu.memory_space<vmem>>
    %dma_start3A_68 = tpu.memref_squeeze %dma_start3A_67 : memref<1x128xi32, #tpu.memory_space<vmem>> -> memref<128xi32, #tpu.memory_space<vmem>>
    %dma_start3A_69 = arith.constant 0 : i32
    %dma_start3A_70 = arith.constant 0 : i32
    %dma_start3A_71 = tpu.memref_slice %arg2[%dma_start3A_69, %dma_start3A_70] : memref<1015808x64xf32, #tpu.memory_space<hbm>> -> memref<1015808x64xf32, #tpu.memory_space<hbm>>
    tpu.enqueue_indirect_dma source(%dma_start3A_71 : memref<1015808x64xf32, #tpu.memory_space<hbm>>) target(%dma_start3A_65 : memref<128x64xf32, #tpu.memory_space<vmem>>) offsets(%dma_start3A_68 : memref<128xi32, #tpu.memory_space<vmem>>) semaphore(%arg15 : memref<!tpu.dma_semaphore, #tpu.memory_space<semaphore_mem>>)
    %dma_start3A_72 = arith.constant 5 : i32
    %dma_start3A_73 = arith.constant 5 : i32
    %dma_start3A_74 = arith.constant 0 : i32
    %dma_start3A_75 = arith.constant 0 : i32
    %dma_start3A_76 = tpu.memref_slice %arg8[%dma_start3A_73, %dma_start3A_74, %dma_start3A_75] : memref<8x128x64xf32, #tpu.memory_space<vmem>> -> memref<1x128x64xf32, #tpu.memory_space<vmem>>
    %dma_start3A_77 = tpu.memref_squeeze %dma_start3A_76 : memref<1x128x64xf32, #tpu.memory_space<vmem>> -> memref<128x64xf32, #tpu.memory_space<vmem>>
    %dma_start3A_78 = arith.constant 0 : i32
    %dma_start3A_79 = tpu.memref_slice %arg6[%dma_start3A_72, %dma_start3A_78] : memref<200x128xi32, #tpu.memory_space<vmem>> -> memref<1x128xi32, #tpu.memory_space<vmem>>
    %dma_start3A_80 = tpu.memref_squeeze %dma_start3A_79 : memref<1x128xi32, #tpu.memory_space<vmem>> -> memref<128xi32, #tpu.memory_space<vmem>>
    %dma_start3A_81 = arith.constant 0 : i32
    %dma_start3A_82 = arith.constant 0 : i32
    %dma_start3A_83 = tpu.memref_slice %arg2[%dma_start3A_81, %dma_start3A_82] : memref<1015808x64xf32, #tpu.memory_space<hbm>> -> memref<1015808x64xf32, #tpu.memory_space<hbm>>
    tpu.enqueue_indirect_dma source(%dma_start3A_83 : memref<1015808x64xf32, #tpu.memory_space<hbm>>) target(%dma_start3A_77 : memref<128x64xf32, #tpu.memory_space<vmem>>) offsets(%dma_start3A_80 : memref<128xi32, #tpu.memory_space<vmem>>) semaphore(%arg16 : memref<!tpu.dma_semaphore, #tpu.memory_space<semaphore_mem>>)
    %dma_start3A_84 = arith.constant 6 : i32
    %dma_start3A_85 = arith.constant 6 : i32
    %dma_start3A_86 = arith.constant 0 : i32
    %dma_start3A_87 = arith.constant 0 : i32
    %dma_start3A_88 = tpu.memref_slice %arg8[%dma_start3A_85, %dma_start3A_86, %dma_start3A_87] : memref<8x128x64xf32, #tpu.memory_space<vmem>> -> memref<1x128x64xf32, #tpu.memory_space<vmem>>
    %dma_start3A_89 = tpu.memref_squeeze %dma_start3A_88 : memref<1x128x64xf32, #tpu.memory_space<vmem>> -> memref<128x64xf32, #tpu.memory_space<vmem>>
    %dma_start3A_90 = arith.constant 0 : i32
    %dma_start3A_91 = tpu.memref_slice %arg6[%dma_start3A_84, %dma_start3A_90] : memref<200x128xi32, #tpu.memory_space<vmem>> -> memref<1x128xi32, #tpu.memory_space<vmem>>
    %dma_start3A_92 = tpu.memref_squeeze %dma_start3A_91 : memref<1x128xi32, #tpu.memory_space<vmem>> -> memref<128xi32, #tpu.memory_space<vmem>>
    %dma_start3A_93 = arith.constant 0 : i32
    %dma_start3A_94 = arith.constant 0 : i32
    %dma_start3A_95 = tpu.memref_slice %arg2[%dma_start3A_93, %dma_start3A_94] : memref<1015808x64xf32, #tpu.memory_space<hbm>> -> memref<1015808x64xf32, #tpu.memory_space<hbm>>
    tpu.enqueue_indirect_dma source(%dma_start3A_95 : memref<1015808x64xf32, #tpu.memory_space<hbm>>) target(%dma_start3A_89 : memref<128x64xf32, #tpu.memory_space<vmem>>) offsets(%dma_start3A_92 : memref<128xi32, #tpu.memory_space<vmem>>) semaphore(%arg17 : memref<!tpu.dma_semaphore, #tpu.memory_space<semaphore_mem>>)
    %dma_start3A_96 = arith.constant 7 : i32
    %dma_start3A_97 = arith.constant 7 : i32
    %dma_start3A_98 = arith.constant 0 : i32
    %dma_start3A_99 = arith.constant 0 : i32
    %dma_start3A_100 = tpu.memref_slice %arg8[%dma_start3A_97, %dma_start3A_98, %dma_start3A_99] : memref<8x128x64xf32, #tpu.memory_space<vmem>> -> memref<1x128x64xf32, #tpu.memory_space<vmem>>
    %dma_start3A_101 = tpu.memref_squeeze %dma_start3A_100 : memref<1x128x64xf32, #tpu.memory_space<vmem>> -> memref<128x64xf32, #tpu.memory_space<vmem>>
    %dma_start3A_102 = arith.constant 0 : i32
    %dma_start3A_103 = tpu.memref_slice %arg6[%dma_start3A_96, %dma_start3A_102] : memref<200x128xi32, #tpu.memory_space<vmem>> -> memref<1x128xi32, #tpu.memory_space<vmem>>
    %dma_start3A_104 = tpu.memref_squeeze %dma_start3A_103 : memref<1x128xi32, #tpu.memory_space<vmem>> -> memref<128xi32, #tpu.memory_space<vmem>>
    %dma_start3A_105 = arith.constant 0 : i32
    %dma_start3A_106 = arith.constant 0 : i32
    %dma_start3A_107 = tpu.memref_slice %arg2[%dma_start3A_105, %dma_start3A_106] : memref<1015808x64xf32, #tpu.memory_space<hbm>> -> memref<1015808x64xf32, #tpu.memory_space<hbm>>
    tpu.enqueue_indirect_dma source(%dma_start3A_107 : memref<1015808x64xf32, #tpu.memory_space<hbm>>) target(%dma_start3A_101 : memref<128x64xf32, #tpu.memory_space<vmem>>) offsets(%dma_start3A_104 : memref<128xi32, #tpu.memory_space<vmem>>) semaphore(%arg18 : memref<!tpu.dma_semaphore, #tpu.memory_space<semaphore_mem>>)
    %scan3A_108 = arith.constant 0 : i32
    %scan3A_109 = arith.constant 24 : i32
    %scan3A_110 = arith.addi %scan3A_108, %scan3A_109 : i32
    %scan3A_111 = arith.constant 1 : i32
    scf.for %scan3A_215 = %scan3A_108 to %scan3A_110 step %scan3A_111  : i32 {
      %mul3A_216 = arith.constant 8 : i32
      %mul3A_217 = arith.muli %scan3A_215, %mul3A_216 : i32
      %add3A_218 = arith.constant 0 : i32
      %add3A_219 = arith.addi %add3A_218, %mul3A_217 : i32
      %add3A_220 = arith.constant 0 : i32
      %add3A_221 = arith.addi %add3A_219, %add3A_220 : i32
      %dma_wait3A_222 = arith.constant 0 : i32
      %dma_wait3A_223 = arith.constant 0 : i32
      %dma_wait3A_224 = arith.constant 0 : i32
      %dma_wait3A_225 = arith.constant 0 : i32
      %dma_wait3A_226 = tpu.memref_slice %arg8[%dma_wait3A_223, %dma_wait3A_224, %dma_wait3A_225] : memref<8x128x64xf32, #tpu.memory_space<vmem>> -> memref<1x128x64xf32, #tpu.memory_space<vmem>>
      %dma_wait3A_227 = tpu.memref_squeeze %dma_wait3A_226 : memref<1x128x64xf32, #tpu.memory_space<vmem>> -> memref<128x64xf32, #tpu.memory_space<vmem>>
      %dma_wait3A_228 = arith.constant 0 : i32
      %dma_wait3A_229 = tpu.memref_slice %arg6[%dma_wait3A_222, %dma_wait3A_228] : memref<200x128xi32, #tpu.memory_space<vmem>> -> memref<1x128xi32, #tpu.memory_space<vmem>>
      %dma_wait3A_230 = tpu.memref_squeeze %dma_wait3A_229 : memref<1x128xi32, #tpu.memory_space<vmem>> -> memref<128xi32, #tpu.memory_space<vmem>>
      %dma_wait3A_231 = arith.constant 0 : i32
      %dma_wait3A_232 = arith.constant 0 : i32
      %dma_wait3A_233 = tpu.memref_slice %arg2[%dma_wait3A_231, %dma_wait3A_232] : memref<1015808x64xf32, #tpu.memory_space<hbm>> -> memref<1015808x64xf32, #tpu.memory_space<hbm>>
      tpu.wait_indirect_dma semaphore(%arg11 : memref<!tpu.dma_semaphore, #tpu.memory_space<semaphore_mem>>) src(%dma_wait3A_233 : memref<1015808x64xf32, #tpu.memory_space<hbm>>) dst(%dma_wait3A_227 : memref<128x64xf32, #tpu.memory_space<vmem>>)
      %run_scoped3A_234 = arith.constant 0 : i32
      "tpu.region"() ({
        %run_scoped3A_460 = tpu.sem_alloc : memref<!tpu.dma_semaphore, #tpu.memory_space<semaphore_mem>>
        %dma_start3A_461 = arith.constant 0 : i32
        %dma_start3A_462 = arith.constant 0 : i32
        %dma_start3A_463 = tpu.memref_slice %arg8[%run_scoped3A_234, %dma_start3A_461, %dma_start3A_462] : memref<8x128x64xf32, #tpu.memory_space<vmem>> -> memref<1x128x64xf32, #tpu.memory_space<vmem>>
        %dma_start3A_464 = tpu.memref_squeeze %dma_start3A_463 : memref<1x128x64xf32, #tpu.memory_space<vmem>> -> memref<128x64xf32, #tpu.memory_space<vmem>>
        %dma_start3A_465 = arith.constant 0 : i32
        %dma_start3A_466 = arith.constant 0 : i32
        %dma_start3A_467 = tpu.memref_slice %arg10[%dma_start3A_465, %dma_start3A_466] : memref<2048x64xf32, #tpu.memory_space<vmem_shared>> -> memref<2048x64xf32, #tpu.memory_space<vmem_shared>>
        tpu.enqueue_indirect_dma source(%dma_start3A_464 : memref<128x64xf32, #tpu.memory_space<vmem>>) target(%dma_start3A_467 : memref<2048x64xf32, #tpu.memory_space<vmem_shared>>) offsets(%arg7 : memref<128xi32, #tpu.memory_space<vmem>>) semaphore(%run_scoped3A_460 : memref<!tpu.dma_semaphore, #tpu.memory_space<semaphore_mem>>) {add = true}
        %dma_wait3A_468 = arith.constant 0 : i32
        %dma_wait3A_469 = arith.constant 0 : i32
        %dma_wait3A_470 = tpu.memref_slice %arg8[%run_scoped3A_234, %dma_wait3A_468, %dma_wait3A_469] : memref<8x128x64xf32, #tpu.memory_space<vmem>> -> memref<1x128x64xf32, #tpu.memory_space<vmem>>
        %dma_wait3A_471 = tpu.memref_squeeze %dma_wait3A_470 : memref<1x128x64xf32, #tpu.memory_space<vmem>> -> memref<128x64xf32, #tpu.memory_space<vmem>>
        %dma_wait3A_472 = arith.constant 0 : i32
        %dma_wait3A_473 = arith.constant 0 : i32
        %dma_wait3A_474 = tpu.memref_slice %arg10[%dma_wait3A_472, %dma_wait3A_473] : memref<2048x64xf32, #tpu.memory_space<vmem_shared>> -> memref<2048x64xf32, #tpu.memory_space<vmem_shared>>
        tpu.wait_indirect_dma semaphore(%run_scoped3A_460 : memref<!tpu.dma_semaphore, #tpu.memory_space<semaphore_mem>>) src(%dma_wait3A_471 : memref<128x64xf32, #tpu.memory_space<vmem>>) dst(%dma_wait3A_474 : memref<2048x64xf32, #tpu.memory_space<vmem_shared>>)
        tpu.yield
      }) : () -> ()
      %add3A_235 = arith.constant 0 : i32
      %add3A_236 = arith.addi %add3A_219, %add3A_235 : i32
      %add3A_237 = arith.constant 8 : i32
      %add3A_238 = arith.addi %add3A_236, %add3A_237 : i32
      %dma_start3A_239 = arith.constant 0 : i32
      %dma_start3A_240 = arith.constant 0 : i32
      %dma_start3A_241 = arith.constant 0 : i32
      %dma_start3A_242 = tpu.memref_slice %arg8[%dma_start3A_239, %dma_start3A_240, %dma_start3A_241] : memref<8x128x64xf32, #tpu.memory_space<vmem>> -> memref<1x128x64xf32, #tpu.memory_space<vmem>>
      %dma_start3A_243 = tpu.memref_squeeze %dma_start3A_242 : memref<1x128x64xf32, #tpu.memory_space<vmem>> -> memref<128x64xf32, #tpu.memory_space<vmem>>
      %dma_start3A_244 = arith.constant 0 : i32
      %dma_start3A_245 = tpu.memref_slice %arg6[%add3A_238, %dma_start3A_244] : memref<200x128xi32, #tpu.memory_space<vmem>> -> memref<1x128xi32, #tpu.memory_space<vmem>>
      %dma_start3A_246 = tpu.memref_squeeze %dma_start3A_245 : memref<1x128xi32, #tpu.memory_space<vmem>> -> memref<128xi32, #tpu.memory_space<vmem>>
      %dma_start3A_247 = arith.constant 0 : i32
      %dma_start3A_248 = arith.constant 0 : i32
      %dma_start3A_249 = tpu.memref_slice %arg2[%dma_start3A_247, %dma_start3A_248] : memref<1015808x64xf32, #tpu.memory_space<hbm>> -> memref<1015808x64xf32, #tpu.memory_space<hbm>>
      tpu.enqueue_indirect_dma source(%dma_start3A_249 : memref<1015808x64xf32, #tpu.memory_space<hbm>>) target(%dma_start3A_243 : memref<128x64xf32, #tpu.memory_space<vmem>>) offsets(%dma_start3A_246 : memref<128xi32, #tpu.memory_space<vmem>>) semaphore(%arg11 : memref<!tpu.dma_semaphore, #tpu.memory_space<semaphore_mem>>)
      %add3A_250 = arith.constant 1 : i32
      %add3A_251 = arith.addi %add3A_219, %add3A_250 : i32
      %dma_wait3A_252 = arith.constant 0 : i32
      %dma_wait3A_253 = arith.constant 1 : i32
      %dma_wait3A_254 = arith.constant 0 : i32
      %dma_wait3A_255 = arith.constant 0 : i32
      %dma_wait3A_256 = tpu.memref_slice %arg8[%dma_wait3A_253, %dma_wait3A_254, %dma_wait3A_255] : memref<8x128x64xf32, #tpu.memory_space<vmem>> -> memref<1x128x64xf32, #tpu.memory_space<vmem>>
      %dma_wait3A_257 = tpu.memref_squeeze %dma_wait3A_256 : memref<1x128x64xf32, #tpu.memory_space<vmem>> -> memref<128x64xf32, #tpu.memory_space<vmem>>
      %dma_wait3A_258 = arith.constant 0 : i32
      %dma_wait3A_259 = tpu.memref_slice %arg6[%dma_wait3A_252, %dma_wait3A_258] : memref<200x128xi32, #tpu.memory_space<vmem>> -> memref<1x128xi32, #tpu.memory_space<vmem>>
      %dma_wait3A_260 = tpu.memref_squeeze %dma_wait3A_259 : memref<1x128xi32, #tpu.memory_space<vmem>> -> memref<128xi32, #tpu.memory_space<vmem>>
      %dma_wait3A_261 = arith.constant 0 : i32
      %dma_wait3A_262 = arith.constant 0 : i32
      %dma_wait3A_263 = tpu.memref_slice %arg2[%dma_wait3A_261, %dma_wait3A_262] : memref<1015808x64xf32, #tpu.memory_space<hbm>> -> memref<1015808x64xf32, #tpu.memory_space<hbm>>
      tpu.wait_indirect_dma semaphore(%arg12 : memref<!tpu.dma_semaphore, #tpu.memory_space<semaphore_mem>>) src(%dma_wait3A_263 : memref<1015808x64xf32, #tpu.memory_space<hbm>>) dst(%dma_wait3A_257 : memref<128x64xf32, #tpu.memory_space<vmem>>)
      %run_scoped3A_264 = arith.constant 1 : i32
      "tpu.region"() ({
        %run_scoped3A_460 = tpu.sem_alloc : memref<!tpu.dma_semaphore, #tpu.memory_space<semaphore_mem>>
        %dma_start3A_461 = arith.constant 0 : i32
        %dma_start3A_462 = arith.constant 0 : i32
        %dma_start3A_463 = tpu.memref_slice %arg8[%run_scoped3A_264, %dma_start3A_461, %dma_start3A_462] : memref<8x128x64xf32, #tpu.memory_space<vmem>> -> memref<1x128x64xf32, #tpu.memory_space<vmem>>
        %dma_start3A_464 = tpu.memref_squeeze %dma_start3A_463 : memref<1x128x64xf32, #tpu.memory_space<vmem>> -> memref<128x64xf32, #tpu.memory_space<vmem>>
        %dma_start3A_465 = arith.constant 0 : i32
        %dma_start3A_466 = arith.constant 0 : i32
        %dma_start3A_467 = tpu.memref_slice %arg10[%dma_start3A_465, %dma_start3A_466] : memref<2048x64xf32, #tpu.memory_space<vmem_shared>> -> memref<2048x64xf32, #tpu.memory_space<vmem_shared>>
        tpu.enqueue_indirect_dma source(%dma_start3A_464 : memref<128x64xf32, #tpu.memory_space<vmem>>) target(%dma_start3A_467 : memref<2048x64xf32, #tpu.memory_space<vmem_shared>>) offsets(%arg7 : memref<128xi32, #tpu.memory_space<vmem>>) semaphore(%run_scoped3A_460 : memref<!tpu.dma_semaphore, #tpu.memory_space<semaphore_mem>>) {add = true}
        %dma_wait3A_468 = arith.constant 0 : i32
        %dma_wait3A_469 = arith.constant 0 : i32
        %dma_wait3A_470 = tpu.memref_slice %arg8[%run_scoped3A_264, %dma_wait3A_468, %dma_wait3A_469] : memref<8x128x64xf32, #tpu.memory_space<vmem>> -> memref<1x128x64xf32, #tpu.memory_space<vmem>>
        %dma_wait3A_471 = tpu.memref_squeeze %dma_wait3A_470 : memref<1x128x64xf32, #tpu.memory_space<vmem>> -> memref<128x64xf32, #tpu.memory_space<vmem>>
        %dma_wait3A_472 = arith.constant 0 : i32
        %dma_wait3A_473 = arith.constant 0 : i32
        %dma_wait3A_474 = tpu.memref_slice %arg10[%dma_wait3A_472, %dma_wait3A_473] : memref<2048x64xf32, #tpu.memory_space<vmem_shared>> -> memref<2048x64xf32, #tpu.memory_space<vmem_shared>>
        tpu.wait_indirect_dma semaphore(%run_scoped3A_460 : memref<!tpu.dma_semaphore, #tpu.memory_space<semaphore_mem>>) src(%dma_wait3A_471 : memref<128x64xf32, #tpu.memory_space<vmem>>) dst(%dma_wait3A_474 : memref<2048x64xf32, #tpu.memory_space<vmem_shared>>)
        tpu.yield
      }) : () -> ()
      %add3A_265 = arith.constant 1 : i32
      %add3A_266 = arith.addi %add3A_219, %add3A_265 : i32
      %add3A_267 = arith.constant 8 : i32
      %add3A_268 = arith.addi %add3A_266, %add3A_267 : i32
      %dma_start3A_269 = arith.constant 1 : i32
      %dma_start3A_270 = arith.constant 0 : i32
      %dma_start3A_271 = arith.constant 0 : i32
      %dma_start3A_272 = tpu.memref_slice %arg8[%dma_start3A_269, %dma_start3A_270, %dma_start3A_271] : memref<8x128x64xf32, #tpu.memory_space<vmem>> -> memref<1x128x64xf32, #tpu.memory_space<vmem>>
      %dma_start3A_273 = tpu.memref_squeeze %dma_start3A_272 : memref<1x128x64xf32, #tpu.memory_space<vmem>> -> memref<128x64xf32, #tpu.memory_space<vmem>>
      %dma_start3A_274 = arith.constant 0 : i32
      %dma_start3A_275 = tpu.memref_slice %arg6[%add3A_268, %dma_start3A_274] : memref<200x128xi32, #tpu.memory_space<vmem>> -> memref<1x128xi32, #tpu.memory_space<vmem>>
      %dma_start3A_276 = tpu.memref_squeeze %dma_start3A_275 : memref<1x128xi32, #tpu.memory_space<vmem>> -> memref<128xi32, #tpu.memory_space<vmem>>
      %dma_start3A_277 = arith.constant 0 : i32
      %dma_start3A_278 = arith.constant 0 : i32
      %dma_start3A_279 = tpu.memref_slice %arg2[%dma_start3A_277, %dma_start3A_278] : memref<1015808x64xf32, #tpu.memory_space<hbm>> -> memref<1015808x64xf32, #tpu.memory_space<hbm>>
      tpu.enqueue_indirect_dma source(%dma_start3A_279 : memref<1015808x64xf32, #tpu.memory_space<hbm>>) target(%dma_start3A_273 : memref<128x64xf32, #tpu.memory_space<vmem>>) offsets(%dma_start3A_276 : memref<128xi32, #tpu.memory_space<vmem>>) semaphore(%arg12 : memref<!tpu.dma_semaphore, #tpu.memory_space<semaphore_mem>>)
      %add3A_280 = arith.constant 2 : i32
      %add3A_281 = arith.addi %add3A_219, %add3A_280 : i32
      %dma_wait3A_282 = arith.constant 0 : i32
      %dma_wait3A_283 = arith.constant 2 : i32
      %dma_wait3A_284 = arith.constant 0 : i32
      %dma_wait3A_285 = arith.constant 0 : i32
      %dma_wait3A_286 = tpu.memref_slice %arg8[%dma_wait3A_283, %dma_wait3A_284, %dma_wait3A_285] : memref<8x128x64xf32, #tpu.memory_space<vmem>> -> memref<1x128x64xf32, #tpu.memory_space<vmem>>
      %dma_wait3A_287 = tpu.memref_squeeze %dma_wait3A_286 : memref<1x128x64xf32, #tpu.memory_space<vmem>> -> memref<128x64xf32, #tpu.memory_space<vmem>>
      %dma_wait3A_288 = arith.constant 0 : i32
      %dma_wait3A_289 = tpu.memref_slice %arg6[%dma_wait3A_282, %dma_wait3A_288] : memref<200x128xi32, #tpu.memory_space<vmem>> -> memref<1x128xi32, #tpu.memory_space<vmem>>
      %dma_wait3A_290 = tpu.memref_squeeze %dma_wait3A_289 : memref<1x128xi32, #tpu.memory_space<vmem>> -> memref<128xi32, #tpu.memory_space<vmem>>
      %dma_wait3A_291 = arith.constant 0 : i32
      %dma_wait3A_292 = arith.constant 0 : i32
      %dma_wait3A_293 = tpu.memref_slice %arg2[%dma_wait3A_291, %dma_wait3A_292] : memref<1015808x64xf32, #tpu.memory_space<hbm>> -> memref<1015808x64xf32, #tpu.memory_space<hbm>>
      tpu.wait_indirect_dma semaphore(%arg13 : memref<!tpu.dma_semaphore, #tpu.memory_space<semaphore_mem>>) src(%dma_wait3A_293 : memref<1015808x64xf32, #tpu.memory_space<hbm>>) dst(%dma_wait3A_287 : memref<128x64xf32, #tpu.memory_space<vmem>>)
      %run_scoped3A_294 = arith.constant 2 : i32
      "tpu.region"() ({
        %run_scoped3A_460 = tpu.sem_alloc : memref<!tpu.dma_semaphore, #tpu.memory_space<semaphore_mem>>
        %dma_start3A_461 = arith.constant 0 : i32
        %dma_start3A_462 = arith.constant 0 : i32
        %dma_start3A_463 = tpu.memref_slice %arg8[%run_scoped3A_294, %dma_start3A_461, %dma_start3A_462] : memref<8x128x64xf32, #tpu.memory_space<vmem>> -> memref<1x128x64xf32, #tpu.memory_space<vmem>>
        %dma_start3A_464 = tpu.memref_squeeze %dma_start3A_463 : memref<1x128x64xf32, #tpu.memory_space<vmem>> -> memref<128x64xf32, #tpu.memory_space<vmem>>
        %dma_start3A_465 = arith.constant 0 : i32
        %dma_start3A_466 = arith.constant 0 : i32
        %dma_start3A_467 = tpu.memref_slice %arg10[%dma_start3A_465, %dma_start3A_466] : memref<2048x64xf32, #tpu.memory_space<vmem_shared>> -> memref<2048x64xf32, #tpu.memory_space<vmem_shared>>
        tpu.enqueue_indirect_dma source(%dma_start3A_464 : memref<128x64xf32, #tpu.memory_space<vmem>>) target(%dma_start3A_467 : memref<2048x64xf32, #tpu.memory_space<vmem_shared>>) offsets(%arg7 : memref<128xi32, #tpu.memory_space<vmem>>) semaphore(%run_scoped3A_460 : memref<!tpu.dma_semaphore, #tpu.memory_space<semaphore_mem>>) {add = true}
        %dma_wait3A_468 = arith.constant 0 : i32
        %dma_wait3A_469 = arith.constant 0 : i32
        %dma_wait3A_470 = tpu.memref_slice %arg8[%run_scoped3A_294, %dma_wait3A_468, %dma_wait3A_469] : memref<8x128x64xf32, #tpu.memory_space<vmem>> -> memref<1x128x64xf32, #tpu.memory_space<vmem>>
        %dma_wait3A_471 = tpu.memref_squeeze %dma_wait3A_470 : memref<1x128x64xf32, #tpu.memory_space<vmem>> -> memref<128x64xf32, #tpu.memory_space<vmem>>
        %dma_wait3A_472 = arith.constant 0 : i32
        %dma_wait3A_473 = arith.constant 0 : i32
        %dma_wait3A_474 = tpu.memref_slice %arg10[%dma_wait3A_472, %dma_wait3A_473] : memref<2048x64xf32, #tpu.memory_space<vmem_shared>> -> memref<2048x64xf32, #tpu.memory_space<vmem_shared>>
        tpu.wait_indirect_dma semaphore(%run_scoped3A_460 : memref<!tpu.dma_semaphore, #tpu.memory_space<semaphore_mem>>) src(%dma_wait3A_471 : memref<128x64xf32, #tpu.memory_space<vmem>>) dst(%dma_wait3A_474 : memref<2048x64xf32, #tpu.memory_space<vmem_shared>>)
        tpu.yield
      }) : () -> ()
      %add3A_295 = arith.constant 2 : i32
      %add3A_296 = arith.addi %add3A_219, %add3A_295 : i32
      %add3A_297 = arith.constant 8 : i32
      %add3A_298 = arith.addi %add3A_296, %add3A_297 : i32
      %dma_start3A_299 = arith.constant 2 : i32
      %dma_start3A_300 = arith.constant 0 : i32
      %dma_start3A_301 = arith.constant 0 : i32
      %dma_start3A_302 = tpu.memref_slice %arg8[%dma_start3A_299, %dma_start3A_300, %dma_start3A_301] : memref<8x128x64xf32, #tpu.memory_space<vmem>> -> memref<1x128x64xf32, #tpu.memory_space<vmem>>
      %dma_start3A_303 = tpu.memref_squeeze %dma_start3A_302 : memref<1x128x64xf32, #tpu.memory_space<vmem>> -> memref<128x64xf32, #tpu.memory_space<vmem>>
      %dma_start3A_304 = arith.constant 0 : i32
      %dma_start3A_305 = tpu.memref_slice %arg6[%add3A_298, %dma_start3A_304] : memref<200x128xi32, #tpu.memory_space<vmem>> -> memref<1x128xi32, #tpu.memory_space<vmem>>
      %dma_start3A_306 = tpu.memref_squeeze %dma_start3A_305 : memref<1x128xi32, #tpu.memory_space<vmem>> -> memref<128xi32, #tpu.memory_space<vmem>>
      %dma_start3A_307 = arith.constant 0 : i32
      %dma_start3A_308 = arith.constant 0 : i32
      %dma_start3A_309 = tpu.memref_slice %arg2[%dma_start3A_307, %dma_start3A_308] : memref<1015808x64xf32, #tpu.memory_space<hbm>> -> memref<1015808x64xf32, #tpu.memory_space<hbm>>
      tpu.enqueue_indirect_dma source(%dma_start3A_309 : memref<1015808x64xf32, #tpu.memory_space<hbm>>) target(%dma_start3A_303 : memref<128x64xf32, #tpu.memory_space<vmem>>) offsets(%dma_start3A_306 : memref<128xi32, #tpu.memory_space<vmem>>) semaphore(%arg13 : memref<!tpu.dma_semaphore, #tpu.memory_space<semaphore_mem>>)
      %add3A_310 = arith.constant 3 : i32
      %add3A_311 = arith.addi %add3A_219, %add3A_310 : i32
      %dma_wait3A_312 = arith.constant 0 : i32
      %dma_wait3A_313 = arith.constant 3 : i32
      %dma_wait3A_314 = arith.constant 0 : i32
      %dma_wait3A_315 = arith.constant 0 : i32
      %dma_wait3A_316 = tpu.memref_slice %arg8[%dma_wait3A_313, %dma_wait3A_314, %dma_wait3A_315] : memref<8x128x64xf32, #tpu.memory_space<vmem>> -> memref<1x128x64xf32, #tpu.memory_space<vmem>>
      %dma_wait3A_317 = tpu.memref_squeeze %dma_wait3A_316 : memref<1x128x64xf32, #tpu.memory_space<vmem>> -> memref<128x64xf32, #tpu.memory_space<vmem>>
      %dma_wait3A_318 = arith.constant 0 : i32
      %dma_wait3A_319 = tpu.memref_slice %arg6[%dma_wait3A_312, %dma_wait3A_318] : memref<200x128xi32, #tpu.memory_space<vmem>> -> memref<1x128xi32, #tpu.memory_space<vmem>>
      %dma_wait3A_320 = tpu.memref_squeeze %dma_wait3A_319 : memref<1x128xi32, #tpu.memory_space<vmem>> -> memref<128xi32, #tpu.memory_space<vmem>>
      %dma_wait3A_321 = arith.constant 0 : i32
      %dma_wait3A_322 = arith.constant 0 : i32
      %dma_wait3A_323 = tpu.memref_slice %arg2[%dma_wait3A_321, %dma_wait3A_322] : memref<1015808x64xf32, #tpu.memory_space<hbm>> -> memref<1015808x64xf32, #tpu.memory_space<hbm>>
      tpu.wait_indirect_dma semaphore(%arg14 : memref<!tpu.dma_semaphore, #tpu.memory_space<semaphore_mem>>) src(%dma_wait3A_323 : memref<1015808x64xf32, #tpu.memory_space<hbm>>) dst(%dma_wait3A_317 : memref<128x64xf32, #tpu.memory_space<vmem>>)
      %run_scoped3A_324 = arith.constant 3 : i32
      "tpu.region"() ({
        %run_scoped3A_460 = tpu.sem_alloc : memref<!tpu.dma_semaphore, #tpu.memory_space<semaphore_mem>>
        %dma_start3A_461 = arith.constant 0 : i32
        %dma_start3A_462 = arith.constant 0 : i32
        %dma_start3A_463 = tpu.memref_slice %arg8[%run_scoped3A_324, %dma_start3A_461, %dma_start3A_462] : memref<8x128x64xf32, #tpu.memory_space<vmem>> -> memref<1x128x64xf32, #tpu.memory_space<vmem>>
        %dma_start3A_464 = tpu.memref_squeeze %dma_start3A_463 : memref<1x128x64xf32, #tpu.memory_space<vmem>> -> memref<128x64xf32, #tpu.memory_space<vmem>>
        %dma_start3A_465 = arith.constant 0 : i32
        %dma_start3A_466 = arith.constant 0 : i32
        %dma_start3A_467 = tpu.memref_slice %arg10[%dma_start3A_465, %dma_start3A_466] : memref<2048x64xf32, #tpu.memory_space<vmem_shared>> -> memref<2048x64xf32, #tpu.memory_space<vmem_shared>>
        tpu.enqueue_indirect_dma source(%dma_start3A_464 : memref<128x64xf32, #tpu.memory_space<vmem>>) target(%dma_start3A_467 : memref<2048x64xf32, #tpu.memory_space<vmem_shared>>) offsets(%arg7 : memref<128xi32, #tpu.memory_space<vmem>>) semaphore(%run_scoped3A_460 : memref<!tpu.dma_semaphore, #tpu.memory_space<semaphore_mem>>) {add = true}
        %dma_wait3A_468 = arith.constant 0 : i32
        %dma_wait3A_469 = arith.constant 0 : i32
        %dma_wait3A_470 = tpu.memref_slice %arg8[%run_scoped3A_324, %dma_wait3A_468, %dma_wait3A_469] : memref<8x128x64xf32, #tpu.memory_space<vmem>> -> memref<1x128x64xf32, #tpu.memory_space<vmem>>
        %dma_wait3A_471 = tpu.memref_squeeze %dma_wait3A_470 : memref<1x128x64xf32, #tpu.memory_space<vmem>> -> memref<128x64xf32, #tpu.memory_space<vmem>>
        %dma_wait3A_472 = arith.constant 0 : i32
        %dma_wait3A_473 = arith.constant 0 : i32
        %dma_wait3A_474 = tpu.memref_slice %arg10[%dma_wait3A_472, %dma_wait3A_473] : memref<2048x64xf32, #tpu.memory_space<vmem_shared>> -> memref<2048x64xf32, #tpu.memory_space<vmem_shared>>
        tpu.wait_indirect_dma semaphore(%run_scoped3A_460 : memref<!tpu.dma_semaphore, #tpu.memory_space<semaphore_mem>>) src(%dma_wait3A_471 : memref<128x64xf32, #tpu.memory_space<vmem>>) dst(%dma_wait3A_474 : memref<2048x64xf32, #tpu.memory_space<vmem_shared>>)
        tpu.yield
      }) : () -> ()
      %add3A_325 = arith.constant 3 : i32
      %add3A_326 = arith.addi %add3A_219, %add3A_325 : i32
      %add3A_327 = arith.constant 8 : i32
      %add3A_328 = arith.addi %add3A_326, %add3A_327 : i32
      %dma_start3A_329 = arith.constant 3 : i32
      %dma_start3A_330 = arith.constant 0 : i32
      %dma_start3A_331 = arith.constant 0 : i32
      %dma_start3A_332 = tpu.memref_slice %arg8[%dma_start3A_329, %dma_start3A_330, %dma_start3A_331] : memref<8x128x64xf32, #tpu.memory_space<vmem>> -> memref<1x128x64xf32, #tpu.memory_space<vmem>>
      %dma_start3A_333 = tpu.memref_squeeze %dma_start3A_332 : memref<1x128x64xf32, #tpu.memory_space<vmem>> -> memref<128x64xf32, #tpu.memory_space<vmem>>
      %dma_start3A_334 = arith.constant 0 : i32
      %dma_start3A_335 = tpu.memref_slice %arg6[%add3A_328, %dma_start3A_334] : memref<200x128xi32, #tpu.memory_space<vmem>> -> memref<1x128xi32, #tpu.memory_space<vmem>>
      %dma_start3A_336 = tpu.memref_squeeze %dma_start3A_335 : memref<1x128xi32, #tpu.memory_space<vmem>> -> memref<128xi32, #tpu.memory_space<vmem>>
      %dma_start3A_337 = arith.constant 0 : i32
      %dma_start3A_338 = arith.constant 0 : i32
      %dma_start3A_339 = tpu.memref_slice %arg2[%dma_start3A_337, %dma_start3A_338] : memref<1015808x64xf32, #tpu.memory_space<hbm>> -> memref<1015808x64xf32, #tpu.memory_space<hbm>>
      tpu.enqueue_indirect_dma source(%dma_start3A_339 : memref<1015808x64xf32, #tpu.memory_space<hbm>>) target(%dma_start3A_333 : memref<128x64xf32, #tpu.memory_space<vmem>>) offsets(%dma_start3A_336 : memref<128xi32, #tpu.memory_space<vmem>>) semaphore(%arg14 : memref<!tpu.dma_semaphore, #tpu.memory_space<semaphore_mem>>)
      %add3A_340 = arith.constant 4 : i32
      %add3A_341 = arith.addi %add3A_219, %add3A_340 : i32
      %dma_wait3A_342 = arith.constant 0 : i32
      %dma_wait3A_343 = arith.constant 4 : i32
      %dma_wait3A_344 = arith.constant 0 : i32
      %dma_wait3A_345 = arith.constant 0 : i32
      %dma_wait3A_346 = tpu.memref_slice %arg8[%dma_wait3A_343, %dma_wait3A_344, %dma_wait3A_345] : memref<8x128x64xf32, #tpu.memory_space<vmem>> -> memref<1x128x64xf32, #tpu.memory_space<vmem>>
      %dma_wait3A_347 = tpu.memref_squeeze %dma_wait3A_346 : memref<1x128x64xf32, #tpu.memory_space<vmem>> -> memref<128x64xf32, #tpu.memory_space<vmem>>
      %dma_wait3A_348 = arith.constant 0 : i32
      %dma_wait3A_349 = tpu.memref_slice %arg6[%dma_wait3A_342, %dma_wait3A_348] : memref<200x128xi32, #tpu.memory_space<vmem>> -> memref<1x128xi32, #tpu.memory_space<vmem>>
      %dma_wait3A_350 = tpu.memref_squeeze %dma_wait3A_349 : memref<1x128xi32, #tpu.memory_space<vmem>> -> memref<128xi32, #tpu.memory_space<vmem>>
      %dma_wait3A_351 = arith.constant 0 : i32
      %dma_wait3A_352 = arith.constant 0 : i32
      %dma_wait3A_353 = tpu.memref_slice %arg2[%dma_wait3A_351, %dma_wait3A_352] : memref<1015808x64xf32, #tpu.memory_space<hbm>> -> memref<1015808x64xf32, #tpu.memory_space<hbm>>
      tpu.wait_indirect_dma semaphore(%arg15 : memref<!tpu.dma_semaphore, #tpu.memory_space<semaphore_mem>>) src(%dma_wait3A_353 : memref<1015808x64xf32, #tpu.memory_space<hbm>>) dst(%dma_wait3A_347 : memref<128x64xf32, #tpu.memory_space<vmem>>)
      %run_scoped3A_354 = arith.constant 4 : i32
      "tpu.region"() ({
        %run_scoped3A_460 = tpu.sem_alloc : memref<!tpu.dma_semaphore, #tpu.memory_space<semaphore_mem>>
        %dma_start3A_461 = arith.constant 0 : i32
        %dma_start3A_462 = arith.constant 0 : i32
        %dma_start3A_463 = tpu.memref_slice %arg8[%run_scoped3A_354, %dma_start3A_461, %dma_start3A_462] : memref<8x128x64xf32, #tpu.memory_space<vmem>> -> memref<1x128x64xf32, #tpu.memory_space<vmem>>
        %dma_start3A_464 = tpu.memref_squeeze %dma_start3A_463 : memref<1x128x64xf32, #tpu.memory_space<vmem>> -> memref<128x64xf32, #tpu.memory_space<vmem>>
        %dma_start3A_465 = arith.constant 0 : i32
        %dma_start3A_466 = arith.constant 0 : i32
        %dma_start3A_467 = tpu.memref_slice %arg10[%dma_start3A_465, %dma_start3A_466] : memref<2048x64xf32, #tpu.memory_space<vmem_shared>> -> memref<2048x64xf32, #tpu.memory_space<vmem_shared>>
        tpu.enqueue_indirect_dma source(%dma_start3A_464 : memref<128x64xf32, #tpu.memory_space<vmem>>) target(%dma_start3A_467 : memref<2048x64xf32, #tpu.memory_space<vmem_shared>>) offsets(%arg7 : memref<128xi32, #tpu.memory_space<vmem>>) semaphore(%run_scoped3A_460 : memref<!tpu.dma_semaphore, #tpu.memory_space<semaphore_mem>>) {add = true}
        %dma_wait3A_468 = arith.constant 0 : i32
        %dma_wait3A_469 = arith.constant 0 : i32
        %dma_wait3A_470 = tpu.memref_slice %arg8[%run_scoped3A_354, %dma_wait3A_468, %dma_wait3A_469] : memref<8x128x64xf32, #tpu.memory_space<vmem>> -> memref<1x128x64xf32, #tpu.memory_space<vmem>>
        %dma_wait3A_471 = tpu.memref_squeeze %dma_wait3A_470 : memref<1x128x64xf32, #tpu.memory_space<vmem>> -> memref<128x64xf32, #tpu.memory_space<vmem>>
        %dma_wait3A_472 = arith.constant 0 : i32
        %dma_wait3A_473 = arith.constant 0 : i32
        %dma_wait3A_474 = tpu.memref_slice %arg10[%dma_wait3A_472, %dma_wait3A_473] : memref<2048x64xf32, #tpu.memory_space<vmem_shared>> -> memref<2048x64xf32, #tpu.memory_space<vmem_shared>>
        tpu.wait_indirect_dma semaphore(%run_scoped3A_460 : memref<!tpu.dma_semaphore, #tpu.memory_space<semaphore_mem>>) src(%dma_wait3A_471 : memref<128x64xf32, #tpu.memory_space<vmem>>) dst(%dma_wait3A_474 : memref<2048x64xf32, #tpu.memory_space<vmem_shared>>)
        tpu.yield
      }) : () -> ()
      %add3A_355 = arith.constant 4 : i32
      %add3A_356 = arith.addi %add3A_219, %add3A_355 : i32
      %add3A_357 = arith.constant 8 : i32
      %add3A_358 = arith.addi %add3A_356, %add3A_357 : i32
      %dma_start3A_359 = arith.constant 4 : i32
      %dma_start3A_360 = arith.constant 0 : i32
      %dma_start3A_361 = arith.constant 0 : i32
      %dma_start3A_362 = tpu.memref_slice %arg8[%dma_start3A_359, %dma_start3A_360, %dma_start3A_361] : memref<8x128x64xf32, #tpu.memory_space<vmem>> -> memref<1x128x64xf32, #tpu.memory_space<vmem>>
      %dma_start3A_363 = tpu.memref_squeeze %dma_start3A_362 : memref<1x128x64xf32, #tpu.memory_space<vmem>> -> memref<128x64xf32, #tpu.memory_space<vmem>>
      %dma_start3A_364 = arith.constant 0 : i32
      %dma_start3A_365 = tpu.memref_slice %arg6[%add3A_358, %dma_start3A_364] : memref<200x128xi32, #tpu.memory_space<vmem>> -> memref<1x128xi32, #tpu.memory_space<vmem>>
      %dma_start3A_366 = tpu.memref_squeeze %dma_start3A_365 : memref<1x128xi32, #tpu.memory_space<vmem>> -> memref<128xi32, #tpu.memory_space<vmem>>
      %dma_start3A_367 = arith.constant 0 : i32
      %dma_start3A_368 = arith.constant 0 : i32
      %dma_start3A_369 = tpu.memref_slice %arg2[%dma_start3A_367, %dma_start3A_368] : memref<1015808x64xf32, #tpu.memory_space<hbm>> -> memref<1015808x64xf32, #tpu.memory_space<hbm>>
      tpu.enqueue_indirect_dma source(%dma_start3A_369 : memref<1015808x64xf32, #tpu.memory_space<hbm>>) target(%dma_start3A_363 : memref<128x64xf32, #tpu.memory_space<vmem>>) offsets(%dma_start3A_366 : memref<128xi32, #tpu.memory_space<vmem>>) semaphore(%arg15 : memref<!tpu.dma_semaphore, #tpu.memory_space<semaphore_mem>>)
      %add3A_370 = arith.constant 5 : i32
      %add3A_371 = arith.addi %add3A_219, %add3A_370 : i32
      %dma_wait3A_372 = arith.constant 0 : i32
      %dma_wait3A_373 = arith.constant 5 : i32
      %dma_wait3A_374 = arith.constant 0 : i32
      %dma_wait3A_375 = arith.constant 0 : i32
      %dma_wait3A_376 = tpu.memref_slice %arg8[%dma_wait3A_373, %dma_wait3A_374, %dma_wait3A_375] : memref<8x128x64xf32, #tpu.memory_space<vmem>> -> memref<1x128x64xf32, #tpu.memory_space<vmem>>
      %dma_wait3A_377 = tpu.memref_squeeze %dma_wait3A_376 : memref<1x128x64xf32, #tpu.memory_space<vmem>> -> memref<128x64xf32, #tpu.memory_space<vmem>>
      %dma_wait3A_378 = arith.constant 0 : i32
      %dma_wait3A_379 = tpu.memref_slice %arg6[%dma_wait3A_372, %dma_wait3A_378] : memref<200x128xi32, #tpu.memory_space<vmem>> -> memref<1x128xi32, #tpu.memory_space<vmem>>
      %dma_wait3A_380 = tpu.memref_squeeze %dma_wait3A_379 : memref<1x128xi32, #tpu.memory_space<vmem>> -> memref<128xi32, #tpu.memory_space<vmem>>
      %dma_wait3A_381 = arith.constant 0 : i32
      %dma_wait3A_382 = arith.constant 0 : i32
      %dma_wait3A_383 = tpu.memref_slice %arg2[%dma_wait3A_381, %dma_wait3A_382] : memref<1015808x64xf32, #tpu.memory_space<hbm>> -> memref<1015808x64xf32, #tpu.memory_space<hbm>>
      tpu.wait_indirect_dma semaphore(%arg16 : memref<!tpu.dma_semaphore, #tpu.memory_space<semaphore_mem>>) src(%dma_wait3A_383 : memref<1015808x64xf32, #tpu.memory_space<hbm>>) dst(%dma_wait3A_377 : memref<128x64xf32, #tpu.memory_space<vmem>>)
      %run_scoped3A_384 = arith.constant 5 : i32
      "tpu.region"() ({
        %run_scoped3A_460 = tpu.sem_alloc : memref<!tpu.dma_semaphore, #tpu.memory_space<semaphore_mem>>
        %dma_start3A_461 = arith.constant 0 : i32
        %dma_start3A_462 = arith.constant 0 : i32
        %dma_start3A_463 = tpu.memref_slice %arg8[%run_scoped3A_384, %dma_start3A_461, %dma_start3A_462] : memref<8x128x64xf32, #tpu.memory_space<vmem>> -> memref<1x128x64xf32, #tpu.memory_space<vmem>>
        %dma_start3A_464 = tpu.memref_squeeze %dma_start3A_463 : memref<1x128x64xf32, #tpu.memory_space<vmem>> -> memref<128x64xf32, #tpu.memory_space<vmem>>
        %dma_start3A_465 = arith.constant 0 : i32
        %dma_start3A_466 = arith.constant 0 : i32
        %dma_start3A_467 = tpu.memref_slice %arg10[%dma_start3A_465, %dma_start3A_466] : memref<2048x64xf32, #tpu.memory_space<vmem_shared>> -> memref<2048x64xf32, #tpu.memory_space<vmem_shared>>
        tpu.enqueue_indirect_dma source(%dma_start3A_464 : memref<128x64xf32, #tpu.memory_space<vmem>>) target(%dma_start3A_467 : memref<2048x64xf32, #tpu.memory_space<vmem_shared>>) offsets(%arg7 : memref<128xi32, #tpu.memory_space<vmem>>) semaphore(%run_scoped3A_460 : memref<!tpu.dma_semaphore, #tpu.memory_space<semaphore_mem>>) {add = true}
        %dma_wait3A_468 = arith.constant 0 : i32
        %dma_wait3A_469 = arith.constant 0 : i32
        %dma_wait3A_470 = tpu.memref_slice %arg8[%run_scoped3A_384, %dma_wait3A_468, %dma_wait3A_469] : memref<8x128x64xf32, #tpu.memory_space<vmem>> -> memref<1x128x64xf32, #tpu.memory_space<vmem>>
        %dma_wait3A_471 = tpu.memref_squeeze %dma_wait3A_470 : memref<1x128x64xf32, #tpu.memory_space<vmem>> -> memref<128x64xf32, #tpu.memory_space<vmem>>
        %dma_wait3A_472 = arith.constant 0 : i32
        %dma_wait3A_473 = arith.constant 0 : i32
        %dma_wait3A_474 = tpu.memref_slice %arg10[%dma_wait3A_472, %dma_wait3A_473] : memref<2048x64xf32, #tpu.memory_space<vmem_shared>> -> memref<2048x64xf32, #tpu.memory_space<vmem_shared>>
        tpu.wait_indirect_dma semaphore(%run_scoped3A_460 : memref<!tpu.dma_semaphore, #tpu.memory_space<semaphore_mem>>) src(%dma_wait3A_471 : memref<128x64xf32, #tpu.memory_space<vmem>>) dst(%dma_wait3A_474 : memref<2048x64xf32, #tpu.memory_space<vmem_shared>>)
        tpu.yield
      }) : () -> ()
      %add3A_385 = arith.constant 5 : i32
      %add3A_386 = arith.addi %add3A_219, %add3A_385 : i32
      %add3A_387 = arith.constant 8 : i32
      %add3A_388 = arith.addi %add3A_386, %add3A_387 : i32
      %dma_start3A_389 = arith.constant 5 : i32
      %dma_start3A_390 = arith.constant 0 : i32
      %dma_start3A_391 = arith.constant 0 : i32
      %dma_start3A_392 = tpu.memref_slice %arg8[%dma_start3A_389, %dma_start3A_390, %dma_start3A_391] : memref<8x128x64xf32, #tpu.memory_space<vmem>> -> memref<1x128x64xf32, #tpu.memory_space<vmem>>
      %dma_start3A_393 = tpu.memref_squeeze %dma_start3A_392 : memref<1x128x64xf32, #tpu.memory_space<vmem>> -> memref<128x64xf32, #tpu.memory_space<vmem>>
      %dma_start3A_394 = arith.constant 0 : i32
      %dma_start3A_395 = tpu.memref_slice %arg6[%add3A_388, %dma_start3A_394] : memref<200x128xi32, #tpu.memory_space<vmem>> -> memref<1x128xi32, #tpu.memory_space<vmem>>
      %dma_start3A_396 = tpu.memref_squeeze %dma_start3A_395 : memref<1x128xi32, #tpu.memory_space<vmem>> -> memref<128xi32, #tpu.memory_space<vmem>>
      %dma_start3A_397 = arith.constant 0 : i32
      %dma_start3A_398 = arith.constant 0 : i32
      %dma_start3A_399 = tpu.memref_slice %arg2[%dma_start3A_397, %dma_start3A_398] : memref<1015808x64xf32, #tpu.memory_space<hbm>> -> memref<1015808x64xf32, #tpu.memory_space<hbm>>
      tpu.enqueue_indirect_dma source(%dma_start3A_399 : memref<1015808x64xf32, #tpu.memory_space<hbm>>) target(%dma_start3A_393 : memref<128x64xf32, #tpu.memory_space<vmem>>) offsets(%dma_start3A_396 : memref<128xi32, #tpu.memory_space<vmem>>) semaphore(%arg16 : memref<!tpu.dma_semaphore, #tpu.memory_space<semaphore_mem>>)
      %add3A_400 = arith.constant 6 : i32
      %add3A_401 = arith.addi %add3A_219, %add3A_400 : i32
      %dma_wait3A_402 = arith.constant 0 : i32
      %dma_wait3A_403 = arith.constant 6 : i32
      %dma_wait3A_404 = arith.constant 0 : i32
      %dma_wait3A_405 = arith.constant 0 : i32
      %dma_wait3A_406 = tpu.memref_slice %arg8[%dma_wait3A_403, %dma_wait3A_404, %dma_wait3A_405] : memref<8x128x64xf32, #tpu.memory_space<vmem>> -> memref<1x128x64xf32, #tpu.memory_space<vmem>>
      %dma_wait3A_407 = tpu.memref_squeeze %dma_wait3A_406 : memref<1x128x64xf32, #tpu.memory_space<vmem>> -> memref<128x64xf32, #tpu.memory_space<vmem>>
      %dma_wait3A_408 = arith.constant 0 : i32
      %dma_wait3A_409 = tpu.memref_slice %arg6[%dma_wait3A_402, %dma_wait3A_408] : memref<200x128xi32, #tpu.memory_space<vmem>> -> memref<1x128xi32, #tpu.memory_space<vmem>>
      %dma_wait3A_410 = tpu.memref_squeeze %dma_wait3A_409 : memref<1x128xi32, #tpu.memory_space<vmem>> -> memref<128xi32, #tpu.memory_space<vmem>>
      %dma_wait3A_411 = arith.constant 0 : i32
      %dma_wait3A_412 = arith.constant 0 : i32
      %dma_wait3A_413 = tpu.memref_slice %arg2[%dma_wait3A_411, %dma_wait3A_412] : memref<1015808x64xf32, #tpu.memory_space<hbm>> -> memref<1015808x64xf32, #tpu.memory_space<hbm>>
      tpu.wait_indirect_dma semaphore(%arg17 : memref<!tpu.dma_semaphore, #tpu.memory_space<semaphore_mem>>) src(%dma_wait3A_413 : memref<1015808x64xf32, #tpu.memory_space<hbm>>) dst(%dma_wait3A_407 : memref<128x64xf32, #tpu.memory_space<vmem>>)
      %run_scoped3A_414 = arith.constant 6 : i32
      "tpu.region"() ({
        %run_scoped3A_460 = tpu.sem_alloc : memref<!tpu.dma_semaphore, #tpu.memory_space<semaphore_mem>>
        %dma_start3A_461 = arith.constant 0 : i32
        %dma_start3A_462 = arith.constant 0 : i32
        %dma_start3A_463 = tpu.memref_slice %arg8[%run_scoped3A_414, %dma_start3A_461, %dma_start3A_462] : memref<8x128x64xf32, #tpu.memory_space<vmem>> -> memref<1x128x64xf32, #tpu.memory_space<vmem>>
        %dma_start3A_464 = tpu.memref_squeeze %dma_start3A_463 : memref<1x128x64xf32, #tpu.memory_space<vmem>> -> memref<128x64xf32, #tpu.memory_space<vmem>>
        %dma_start3A_465 = arith.constant 0 : i32
        %dma_start3A_466 = arith.constant 0 : i32
        %dma_start3A_467 = tpu.memref_slice %arg10[%dma_start3A_465, %dma_start3A_466] : memref<2048x64xf32, #tpu.memory_space<vmem_shared>> -> memref<2048x64xf32, #tpu.memory_space<vmem_shared>>
        tpu.enqueue_indirect_dma source(%dma_start3A_464 : memref<128x64xf32, #tpu.memory_space<vmem>>) target(%dma_start3A_467 : memref<2048x64xf32, #tpu.memory_space<vmem_shared>>) offsets(%arg7 : memref<128xi32, #tpu.memory_space<vmem>>) semaphore(%run_scoped3A_460 : memref<!tpu.dma_semaphore, #tpu.memory_space<semaphore_mem>>) {add = true}
        %dma_wait3A_468 = arith.constant 0 : i32
        %dma_wait3A_469 = arith.constant 0 : i32
        %dma_wait3A_470 = tpu.memref_slice %arg8[%run_scoped3A_414, %dma_wait3A_468, %dma_wait3A_469] : memref<8x128x64xf32, #tpu.memory_space<vmem>> -> memref<1x128x64xf32, #tpu.memory_space<vmem>>
        %dma_wait3A_471 = tpu.memref_squeeze %dma_wait3A_470 : memref<1x128x64xf32, #tpu.memory_space<vmem>> -> memref<128x64xf32, #tpu.memory_space<vmem>>
        %dma_wait3A_472 = arith.constant 0 : i32
        %dma_wait3A_473 = arith.constant 0 : i32
        %dma_wait3A_474 = tpu.memref_slice %arg10[%dma_wait3A_472, %dma_wait3A_473] : memref<2048x64xf32, #tpu.memory_space<vmem_shared>> -> memref<2048x64xf32, #tpu.memory_space<vmem_shared>>
        tpu.wait_indirect_dma semaphore(%run_scoped3A_460 : memref<!tpu.dma_semaphore, #tpu.memory_space<semaphore_mem>>) src(%dma_wait3A_471 : memref<128x64xf32, #tpu.memory_space<vmem>>) dst(%dma_wait3A_474 : memref<2048x64xf32, #tpu.memory_space<vmem_shared>>)
        tpu.yield
      }) : () -> ()
      %add3A_415 = arith.constant 6 : i32
      %add3A_416 = arith.addi %add3A_219, %add3A_415 : i32
      %add3A_417 = arith.constant 8 : i32
      %add3A_418 = arith.addi %add3A_416, %add3A_417 : i32
      %dma_start3A_419 = arith.constant 6 : i32
      %dma_start3A_420 = arith.constant 0 : i32
      %dma_start3A_421 = arith.constant 0 : i32
      %dma_start3A_422 = tpu.memref_slice %arg8[%dma_start3A_419, %dma_start3A_420, %dma_start3A_421] : memref<8x128x64xf32, #tpu.memory_space<vmem>> -> memref<1x128x64xf32, #tpu.memory_space<vmem>>
      %dma_start3A_423 = tpu.memref_squeeze %dma_start3A_422 : memref<1x128x64xf32, #tpu.memory_space<vmem>> -> memref<128x64xf32, #tpu.memory_space<vmem>>
      %dma_start3A_424 = arith.constant 0 : i32
      %dma_start3A_425 = tpu.memref_slice %arg6[%add3A_418, %dma_start3A_424] : memref<200x128xi32, #tpu.memory_space<vmem>> -> memref<1x128xi32, #tpu.memory_space<vmem>>
      %dma_start3A_426 = tpu.memref_squeeze %dma_start3A_425 : memref<1x128xi32, #tpu.memory_space<vmem>> -> memref<128xi32, #tpu.memory_space<vmem>>
      %dma_start3A_427 = arith.constant 0 : i32
      %dma_start3A_428 = arith.constant 0 : i32
      %dma_start3A_429 = tpu.memref_slice %arg2[%dma_start3A_427, %dma_start3A_428] : memref<1015808x64xf32, #tpu.memory_space<hbm>> -> memref<1015808x64xf32, #tpu.memory_space<hbm>>
      tpu.enqueue_indirect_dma source(%dma_start3A_429 : memref<1015808x64xf32, #tpu.memory_space<hbm>>) target(%dma_start3A_423 : memref<128x64xf32, #tpu.memory_space<vmem>>) offsets(%dma_start3A_426 : memref<128xi32, #tpu.memory_space<vmem>>) semaphore(%arg17 : memref<!tpu.dma_semaphore, #tpu.memory_space<semaphore_mem>>)
      %add3A_430 = arith.constant 7 : i32
      %add3A_431 = arith.addi %add3A_219, %add3A_430 : i32
      %dma_wait3A_432 = arith.constant 0 : i32
      %dma_wait3A_433 = arith.constant 7 : i32
      %dma_wait3A_434 = arith.constant 0 : i32
      %dma_wait3A_435 = arith.constant 0 : i32
      %dma_wait3A_436 = tpu.memref_slice %arg8[%dma_wait3A_433, %dma_wait3A_434, %dma_wait3A_435] : memref<8x128x64xf32, #tpu.memory_space<vmem>> -> memref<1x128x64xf32, #tpu.memory_space<vmem>>
      %dma_wait3A_437 = tpu.memref_squeeze %dma_wait3A_436 : memref<1x128x64xf32, #tpu.memory_space<vmem>> -> memref<128x64xf32, #tpu.memory_space<vmem>>
      %dma_wait3A_438 = arith.constant 0 : i32
      %dma_wait3A_439 = tpu.memref_slice %arg6[%dma_wait3A_432, %dma_wait3A_438] : memref<200x128xi32, #tpu.memory_space<vmem>> -> memref<1x128xi32, #tpu.memory_space<vmem>>
      %dma_wait3A_440 = tpu.memref_squeeze %dma_wait3A_439 : memref<1x128xi32, #tpu.memory_space<vmem>> -> memref<128xi32, #tpu.memory_space<vmem>>
      %dma_wait3A_441 = arith.constant 0 : i32
      %dma_wait3A_442 = arith.constant 0 : i32
      %dma_wait3A_443 = tpu.memref_slice %arg2[%dma_wait3A_441, %dma_wait3A_442] : memref<1015808x64xf32, #tpu.memory_space<hbm>> -> memref<1015808x64xf32, #tpu.memory_space<hbm>>
      tpu.wait_indirect_dma semaphore(%arg18 : memref<!tpu.dma_semaphore, #tpu.memory_space<semaphore_mem>>) src(%dma_wait3A_443 : memref<1015808x64xf32, #tpu.memory_space<hbm>>) dst(%dma_wait3A_437 : memref<128x64xf32, #tpu.memory_space<vmem>>)
      %run_scoped3A_444 = arith.constant 7 : i32
      "tpu.region"() ({
        %run_scoped3A_460 = tpu.sem_alloc : memref<!tpu.dma_semaphore, #tpu.memory_space<semaphore_mem>>
        %dma_start3A_461 = arith.constant 0 : i32
        %dma_start3A_462 = arith.constant 0 : i32
        %dma_start3A_463 = tpu.memref_slice %arg8[%run_scoped3A_444, %dma_start3A_461, %dma_start3A_462] : memref<8x128x64xf32, #tpu.memory_space<vmem>> -> memref<1x128x64xf32, #tpu.memory_space<vmem>>
        %dma_start3A_464 = tpu.memref_squeeze %dma_start3A_463 : memref<1x128x64xf32, #tpu.memory_space<vmem>> -> memref<128x64xf32, #tpu.memory_space<vmem>>
        %dma_start3A_465 = arith.constant 0 : i32
        %dma_start3A_466 = arith.constant 0 : i32
        %dma_start3A_467 = tpu.memref_slice %arg10[%dma_start3A_465, %dma_start3A_466] : memref<2048x64xf32, #tpu.memory_space<vmem_shared>> -> memref<2048x64xf32, #tpu.memory_space<vmem_shared>>
        tpu.enqueue_indirect_dma source(%dma_start3A_464 : memref<128x64xf32, #tpu.memory_space<vmem>>) target(%dma_start3A_467 : memref<2048x64xf32, #tpu.memory_space<vmem_shared>>) offsets(%arg7 : memref<128xi32, #tpu.memory_space<vmem>>) semaphore(%run_scoped3A_460 : memref<!tpu.dma_semaphore, #tpu.memory_space<semaphore_mem>>) {add = true}
        %dma_wait3A_468 = arith.constant 0 : i32
        %dma_wait3A_469 = arith.constant 0 : i32
        %dma_wait3A_470 = tpu.memref_slice %arg8[%run_scoped3A_444, %dma_wait3A_468, %dma_wait3A_469] : memref<8x128x64xf32, #tpu.memory_space<vmem>> -> memref<1x128x64xf32, #tpu.memory_space<vmem>>
        %dma_wait3A_471 = tpu.memref_squeeze %dma_wait3A_470 : memref<1x128x64xf32, #tpu.memory_space<vmem>> -> memref<128x64xf32, #tpu.memory_space<vmem>>
        %dma_wait3A_472 = arith.constant 0 : i32
        %dma_wait3A_473 = arith.constant 0 : i32
        %dma_wait3A_474 = tpu.memref_slice %arg10[%dma_wait3A_472, %dma_wait3A_473] : memref<2048x64xf32, #tpu.memory_space<vmem_shared>> -> memref<2048x64xf32, #tpu.memory_space<vmem_shared>>
        tpu.wait_indirect_dma semaphore(%run_scoped3A_460 : memref<!tpu.dma_semaphore, #tpu.memory_space<semaphore_mem>>) src(%dma_wait3A_471 : memref<128x64xf32, #tpu.memory_space<vmem>>) dst(%dma_wait3A_474 : memref<2048x64xf32, #tpu.memory_space<vmem_shared>>)
        tpu.yield
      }) : () -> ()
      %add3A_445 = arith.constant 7 : i32
      %add3A_446 = arith.addi %add3A_219, %add3A_445 : i32
      %add3A_447 = arith.constant 8 : i32
      %add3A_448 = arith.addi %add3A_446, %add3A_447 : i32
      %dma_start3A_449 = arith.constant 7 : i32
      %dma_start3A_450 = arith.constant 0 : i32
      %dma_start3A_451 = arith.constant 0 : i32
      %dma_start3A_452 = tpu.memref_slice %arg8[%dma_start3A_449, %dma_start3A_450, %dma_start3A_451] : memref<8x128x64xf32, #tpu.memory_space<vmem>> -> memref<1x128x64xf32, #tpu.memory_space<vmem>>
      %dma_start3A_453 = tpu.memref_squeeze %dma_start3A_452 : memref<1x128x64xf32, #tpu.memory_space<vmem>> -> memref<128x64xf32, #tpu.memory_space<vmem>>
      %dma_start3A_454 = arith.constant 0 : i32
      %dma_start3A_455 = tpu.memref_slice %arg6[%add3A_448, %dma_start3A_454] : memref<200x128xi32, #tpu.memory_space<vmem>> -> memref<1x128xi32, #tpu.memory_space<vmem>>
      %dma_start3A_456 = tpu.memref_squeeze %dma_start3A_455 : memref<1x128xi32, #tpu.memory_space<vmem>> -> memref<128xi32, #tpu.memory_space<vmem>>
      %dma_start3A_457 = arith.constant 0 : i32
      %dma_start3A_458 = arith.constant 0 : i32
      %dma_start3A_459 = tpu.memref_slice %arg2[%dma_start3A_457, %dma_start3A_458] : memref<1015808x64xf32, #tpu.memory_space<hbm>> -> memref<1015808x64xf32, #tpu.memory_space<hbm>>
      tpu.enqueue_indirect_dma source(%dma_start3A_459 : memref<1015808x64xf32, #tpu.memory_space<hbm>>) target(%dma_start3A_453 : memref<128x64xf32, #tpu.memory_space<vmem>>) offsets(%dma_start3A_456 : memref<128xi32, #tpu.memory_space<vmem>>) semaphore(%arg18 : memref<!tpu.dma_semaphore, #tpu.memory_space<semaphore_mem>>)
    }
    %scan3A_112 = arith.constant 24 : i32
    %dma_wait3A = arith.constant 0 : i32
    %dma_wait3A_113 = arith.constant 0 : i32
    %dma_wait3A_114 = arith.constant 0 : i32
    %dma_wait3A_115 = arith.constant 0 : i32
    %dma_wait3A_116 = tpu.memref_slice %arg8[%dma_wait3A_113, %dma_wait3A_114, %dma_wait3A_115] : memref<8x128x64xf32, #tpu.memory_space<vmem>> -> memref<1x128x64xf32, #tpu.memory_space<vmem>>
    %dma_wait3A_117 = tpu.memref_squeeze %dma_wait3A_116 : memref<1x128x64xf32, #tpu.memory_space<vmem>> -> memref<128x64xf32, #tpu.memory_space<vmem>>
    %dma_wait3A_118 = arith.constant 0 : i32
    %dma_wait3A_119 = tpu.memref_slice %arg6[%dma_wait3A, %dma_wait3A_118] : memref<200x128xi32, #tpu.memory_space<vmem>> -> memref<1x128xi32, #tpu.memory_space<vmem>>
    %dma_wait3A_120 = tpu.memref_squeeze %dma_wait3A_119 : memref<1x128xi32, #tpu.memory_space<vmem>> -> memref<128xi32, #tpu.memory_space<vmem>>
    %dma_wait3A_121 = arith.constant 0 : i32
    %dma_wait3A_122 = arith.constant 0 : i32
    %dma_wait3A_123 = tpu.memref_slice %arg2[%dma_wait3A_121, %dma_wait3A_122] : memref<1015808x64xf32, #tpu.memory_space<hbm>> -> memref<1015808x64xf32, #tpu.memory_space<hbm>>
    tpu.wait_indirect_dma semaphore(%arg11 : memref<!tpu.dma_semaphore, #tpu.memory_space<semaphore_mem>>) src(%dma_wait3A_123 : memref<1015808x64xf32, #tpu.memory_space<hbm>>) dst(%dma_wait3A_117 : memref<128x64xf32, #tpu.memory_space<vmem>>)
    %run_scoped3A = arith.constant 0 : i32
    "tpu.region"() ({
      %run_scoped3A_215 = tpu.sem_alloc : memref<!tpu.dma_semaphore, #tpu.memory_space<semaphore_mem>>
      %dma_start3A_216 = arith.constant 0 : i32
      %dma_start3A_217 = arith.constant 0 : i32
      %dma_start3A_218 = tpu.memref_slice %arg8[%run_scoped3A, %dma_start3A_216, %dma_start3A_217] : memref<8x128x64xf32, #tpu.memory_space<vmem>> -> memref<1x128x64xf32, #tpu.memory_space<vmem>>
      %dma_start3A_219 = tpu.memref_squeeze %dma_start3A_218 : memref<1x128x64xf32, #tpu.memory_space<vmem>> -> memref<128x64xf32, #tpu.memory_space<vmem>>
      %dma_start3A_220 = arith.constant 0 : i32
      %dma_start3A_221 = arith.constant 0 : i32
      %dma_start3A_222 = tpu.memref_slice %arg10[%dma_start3A_220, %dma_start3A_221] : memref<2048x64xf32, #tpu.memory_space<vmem_shared>> -> memref<2048x64xf32, #tpu.memory_space<vmem_shared>>
      tpu.enqueue_indirect_dma source(%dma_start3A_219 : memref<128x64xf32, #tpu.memory_space<vmem>>) target(%dma_start3A_222 : memref<2048x64xf32, #tpu.memory_space<vmem_shared>>) offsets(%arg7 : memref<128xi32, #tpu.memory_space<vmem>>) semaphore(%run_scoped3A_215 : memref<!tpu.dma_semaphore, #tpu.memory_space<semaphore_mem>>) {add = true}
      %dma_wait3A_223 = arith.constant 0 : i32
      %dma_wait3A_224 = arith.constant 0 : i32
      %dma_wait3A_225 = tpu.memref_slice %arg8[%run_scoped3A, %dma_wait3A_223, %dma_wait3A_224] : memref<8x128x64xf32, #tpu.memory_space<vmem>> -> memref<1x128x64xf32, #tpu.memory_space<vmem>>
      %dma_wait3A_226 = tpu.memref_squeeze %dma_wait3A_225 : memref<1x128x64xf32, #tpu.memory_space<vmem>> -> memref<128x64xf32, #tpu.memory_space<vmem>>
      %dma_wait3A_227 = arith.constant 0 : i32
      %dma_wait3A_228 = arith.constant 0 : i32
      %dma_wait3A_229 = tpu.memref_slice %arg10[%dma_wait3A_227, %dma_wait3A_228] : memref<2048x64xf32, #tpu.memory_space<vmem_shared>> -> memref<2048x64xf32, #tpu.memory_space<vmem_shared>>
      tpu.wait_indirect_dma semaphore(%run_scoped3A_215 : memref<!tpu.dma_semaphore, #tpu.memory_space<semaphore_mem>>) src(%dma_wait3A_226 : memref<128x64xf32, #tpu.memory_space<vmem>>) dst(%dma_wait3A_229 : memref<2048x64xf32, #tpu.memory_space<vmem_shared>>)
      tpu.yield
    }) : () -> ()
    %dma_wait3A_124 = arith.constant 0 : i32
    %dma_wait3A_125 = arith.constant 1 : i32
    %dma_wait3A_126 = arith.constant 0 : i32
    %dma_wait3A_127 = arith.constant 0 : i32
    %dma_wait3A_128 = tpu.memref_slice %arg8[%dma_wait3A_125, %dma_wait3A_126, %dma_wait3A_127] : memref<8x128x64xf32, #tpu.memory_space<vmem>> -> memref<1x128x64xf32, #tpu.memory_space<vmem>>
    %dma_wait3A_129 = tpu.memref_squeeze %dma_wait3A_128 : memref<1x128x64xf32, #tpu.memory_space<vmem>> -> memref<128x64xf32, #tpu.memory_space<vmem>>
    %dma_wait3A_130 = arith.constant 0 : i32
    %dma_wait3A_131 = tpu.memref_slice %arg6[%dma_wait3A_124, %dma_wait3A_130] : memref<200x128xi32, #tpu.memory_space<vmem>> -> memref<1x128xi32, #tpu.memory_space<vmem>>
    %dma_wait3A_132 = tpu.memref_squeeze %dma_wait3A_131 : memref<1x128xi32, #tpu.memory_space<vmem>> -> memref<128xi32, #tpu.memory_space<vmem>>
    %dma_wait3A_133 = arith.constant 0 : i32
    %dma_wait3A_134 = arith.constant 0 : i32
    %dma_wait3A_135 = tpu.memref_slice %arg2[%dma_wait3A_133, %dma_wait3A_134] : memref<1015808x64xf32, #tpu.memory_space<hbm>> -> memref<1015808x64xf32, #tpu.memory_space<hbm>>
    tpu.wait_indirect_dma semaphore(%arg12 : memref<!tpu.dma_semaphore, #tpu.memory_space<semaphore_mem>>) src(%dma_wait3A_135 : memref<1015808x64xf32, #tpu.memory_space<hbm>>) dst(%dma_wait3A_129 : memref<128x64xf32, #tpu.memory_space<vmem>>)
    %run_scoped3A_136 = arith.constant 1 : i32
    "tpu.region"() ({
      %run_scoped3A_215 = tpu.sem_alloc : memref<!tpu.dma_semaphore, #tpu.memory_space<semaphore_mem>>
      %dma_start3A_216 = arith.constant 0 : i32
      %dma_start3A_217 = arith.constant 0 : i32
      %dma_start3A_218 = tpu.memref_slice %arg8[%run_scoped3A_136, %dma_start3A_216, %dma_start3A_217] : memref<8x128x64xf32, #tpu.memory_space<vmem>> -> memref<1x128x64xf32, #tpu.memory_space<vmem>>
      %dma_start3A_219 = tpu.memref_squeeze %dma_start3A_218 : memref<1x128x64xf32, #tpu.memory_space<vmem>> -> memref<128x64xf32, #tpu.memory_space<vmem>>
      %dma_start3A_220 = arith.constant 0 : i32
      %dma_start3A_221 = arith.constant 0 : i32
      %dma_start3A_222 = tpu.memref_slice %arg10[%dma_start3A_220, %dma_start3A_221] : memref<2048x64xf32, #tpu.memory_space<vmem_shared>> -> memref<2048x64xf32, #tpu.memory_space<vmem_shared>>
      tpu.enqueue_indirect_dma source(%dma_start3A_219 : memref<128x64xf32, #tpu.memory_space<vmem>>) target(%dma_start3A_222 : memref<2048x64xf32, #tpu.memory_space<vmem_shared>>) offsets(%arg7 : memref<128xi32, #tpu.memory_space<vmem>>) semaphore(%run_scoped3A_215 : memref<!tpu.dma_semaphore, #tpu.memory_space<semaphore_mem>>) {add = true}
      %dma_wait3A_223 = arith.constant 0 : i32
      %dma_wait3A_224 = arith.constant 0 : i32
      %dma_wait3A_225 = tpu.memref_slice %arg8[%run_scoped3A_136, %dma_wait3A_223, %dma_wait3A_224] : memref<8x128x64xf32, #tpu.memory_space<vmem>> -> memref<1x128x64xf32, #tpu.memory_space<vmem>>
      %dma_wait3A_226 = tpu.memref_squeeze %dma_wait3A_225 : memref<1x128x64xf32, #tpu.memory_space<vmem>> -> memref<128x64xf32, #tpu.memory_space<vmem>>
      %dma_wait3A_227 = arith.constant 0 : i32
      %dma_wait3A_228 = arith.constant 0 : i32
      %dma_wait3A_229 = tpu.memref_slice %arg10[%dma_wait3A_227, %dma_wait3A_228] : memref<2048x64xf32, #tpu.memory_space<vmem_shared>> -> memref<2048x64xf32, #tpu.memory_space<vmem_shared>>
      tpu.wait_indirect_dma semaphore(%run_scoped3A_215 : memref<!tpu.dma_semaphore, #tpu.memory_space<semaphore_mem>>) src(%dma_wait3A_226 : memref<128x64xf32, #tpu.memory_space<vmem>>) dst(%dma_wait3A_229 : memref<2048x64xf32, #tpu.memory_space<vmem_shared>>)
      tpu.yield
    }) : () -> ()
    %dma_wait3A_137 = arith.constant 0 : i32
    %dma_wait3A_138 = arith.constant 2 : i32
    %dma_wait3A_139 = arith.constant 0 : i32
    %dma_wait3A_140 = arith.constant 0 : i32
    %dma_wait3A_141 = tpu.memref_slice %arg8[%dma_wait3A_138, %dma_wait3A_139, %dma_wait3A_140] : memref<8x128x64xf32, #tpu.memory_space<vmem>> -> memref<1x128x64xf32, #tpu.memory_space<vmem>>
    %dma_wait3A_142 = tpu.memref_squeeze %dma_wait3A_141 : memref<1x128x64xf32, #tpu.memory_space<vmem>> -> memref<128x64xf32, #tpu.memory_space<vmem>>
    %dma_wait3A_143 = arith.constant 0 : i32
    %dma_wait3A_144 = tpu.memref_slice %arg6[%dma_wait3A_137, %dma_wait3A_143] : memref<200x128xi32, #tpu.memory_space<vmem>> -> memref<1x128xi32, #tpu.memory_space<vmem>>
    %dma_wait3A_145 = tpu.memref_squeeze %dma_wait3A_144 : memref<1x128xi32, #tpu.memory_space<vmem>> -> memref<128xi32, #tpu.memory_space<vmem>>
    %dma_wait3A_146 = arith.constant 0 : i32
    %dma_wait3A_147 = arith.constant 0 : i32
    %dma_wait3A_148 = tpu.memref_slice %arg2[%dma_wait3A_146, %dma_wait3A_147] : memref<1015808x64xf32, #tpu.memory_space<hbm>> -> memref<1015808x64xf32, #tpu.memory_space<hbm>>
    tpu.wait_indirect_dma semaphore(%arg13 : memref<!tpu.dma_semaphore, #tpu.memory_space<semaphore_mem>>) src(%dma_wait3A_148 : memref<1015808x64xf32, #tpu.memory_space<hbm>>) dst(%dma_wait3A_142 : memref<128x64xf32, #tpu.memory_space<vmem>>)
    %run_scoped3A_149 = arith.constant 2 : i32
    "tpu.region"() ({
      %run_scoped3A_215 = tpu.sem_alloc : memref<!tpu.dma_semaphore, #tpu.memory_space<semaphore_mem>>
      %dma_start3A_216 = arith.constant 0 : i32
      %dma_start3A_217 = arith.constant 0 : i32
      %dma_start3A_218 = tpu.memref_slice %arg8[%run_scoped3A_149, %dma_start3A_216, %dma_start3A_217] : memref<8x128x64xf32, #tpu.memory_space<vmem>> -> memref<1x128x64xf32, #tpu.memory_space<vmem>>
      %dma_start3A_219 = tpu.memref_squeeze %dma_start3A_218 : memref<1x128x64xf32, #tpu.memory_space<vmem>> -> memref<128x64xf32, #tpu.memory_space<vmem>>
      %dma_start3A_220 = arith.constant 0 : i32
      %dma_start3A_221 = arith.constant 0 : i32
      %dma_start3A_222 = tpu.memref_slice %arg10[%dma_start3A_220, %dma_start3A_221] : memref<2048x64xf32, #tpu.memory_space<vmem_shared>> -> memref<2048x64xf32, #tpu.memory_space<vmem_shared>>
      tpu.enqueue_indirect_dma source(%dma_start3A_219 : memref<128x64xf32, #tpu.memory_space<vmem>>) target(%dma_start3A_222 : memref<2048x64xf32, #tpu.memory_space<vmem_shared>>) offsets(%arg7 : memref<128xi32, #tpu.memory_space<vmem>>) semaphore(%run_scoped3A_215 : memref<!tpu.dma_semaphore, #tpu.memory_space<semaphore_mem>>) {add = true}
      %dma_wait3A_223 = arith.constant 0 : i32
      %dma_wait3A_224 = arith.constant 0 : i32
      %dma_wait3A_225 = tpu.memref_slice %arg8[%run_scoped3A_149, %dma_wait3A_223, %dma_wait3A_224] : memref<8x128x64xf32, #tpu.memory_space<vmem>> -> memref<1x128x64xf32, #tpu.memory_space<vmem>>
      %dma_wait3A_226 = tpu.memref_squeeze %dma_wait3A_225 : memref<1x128x64xf32, #tpu.memory_space<vmem>> -> memref<128x64xf32, #tpu.memory_space<vmem>>
      %dma_wait3A_227 = arith.constant 0 : i32
      %dma_wait3A_228 = arith.constant 0 : i32
      %dma_wait3A_229 = tpu.memref_slice %arg10[%dma_wait3A_227, %dma_wait3A_228] : memref<2048x64xf32, #tpu.memory_space<vmem_shared>> -> memref<2048x64xf32, #tpu.memory_space<vmem_shared>>
      tpu.wait_indirect_dma semaphore(%run_scoped3A_215 : memref<!tpu.dma_semaphore, #tpu.memory_space<semaphore_mem>>) src(%dma_wait3A_226 : memref<128x64xf32, #tpu.memory_space<vmem>>) dst(%dma_wait3A_229 : memref<2048x64xf32, #tpu.memory_space<vmem_shared>>)
      tpu.yield
    }) : () -> ()
    %dma_wait3A_150 = arith.constant 0 : i32
    %dma_wait3A_151 = arith.constant 3 : i32
    %dma_wait3A_152 = arith.constant 0 : i32
    %dma_wait3A_153 = arith.constant 0 : i32
    %dma_wait3A_154 = tpu.memref_slice %arg8[%dma_wait3A_151, %dma_wait3A_152, %dma_wait3A_153] : memref<8x128x64xf32, #tpu.memory_space<vmem>> -> memref<1x128x64xf32, #tpu.memory_space<vmem>>
    %dma_wait3A_155 = tpu.memref_squeeze %dma_wait3A_154 : memref<1x128x64xf32, #tpu.memory_space<vmem>> -> memref<128x64xf32, #tpu.memory_space<vmem>>
    %dma_wait3A_156 = arith.constant 0 : i32
    %dma_wait3A_157 = tpu.memref_slice %arg6[%dma_wait3A_150, %dma_wait3A_156] : memref<200x128xi32, #tpu.memory_space<vmem>> -> memref<1x128xi32, #tpu.memory_space<vmem>>
    %dma_wait3A_158 = tpu.memref_squeeze %dma_wait3A_157 : memref<1x128xi32, #tpu.memory_space<vmem>> -> memref<128xi32, #tpu.memory_space<vmem>>
    %dma_wait3A_159 = arith.constant 0 : i32
    %dma_wait3A_160 = arith.constant 0 : i32
    %dma_wait3A_161 = tpu.memref_slice %arg2[%dma_wait3A_159, %dma_wait3A_160] : memref<1015808x64xf32, #tpu.memory_space<hbm>> -> memref<1015808x64xf32, #tpu.memory_space<hbm>>
    tpu.wait_indirect_dma semaphore(%arg14 : memref<!tpu.dma_semaphore, #tpu.memory_space<semaphore_mem>>) src(%dma_wait3A_161 : memref<1015808x64xf32, #tpu.memory_space<hbm>>) dst(%dma_wait3A_155 : memref<128x64xf32, #tpu.memory_space<vmem>>)
    %run_scoped3A_162 = arith.constant 3 : i32
    "tpu.region"() ({
      %run_scoped3A_215 = tpu.sem_alloc : memref<!tpu.dma_semaphore, #tpu.memory_space<semaphore_mem>>
      %dma_start3A_216 = arith.constant 0 : i32
      %dma_start3A_217 = arith.constant 0 : i32
      %dma_start3A_218 = tpu.memref_slice %arg8[%run_scoped3A_162, %dma_start3A_216, %dma_start3A_217] : memref<8x128x64xf32, #tpu.memory_space<vmem>> -> memref<1x128x64xf32, #tpu.memory_space<vmem>>
      %dma_start3A_219 = tpu.memref_squeeze %dma_start3A_218 : memref<1x128x64xf32, #tpu.memory_space<vmem>> -> memref<128x64xf32, #tpu.memory_space<vmem>>
      %dma_start3A_220 = arith.constant 0 : i32
      %dma_start3A_221 = arith.constant 0 : i32
      %dma_start3A_222 = tpu.memref_slice %arg10[%dma_start3A_220, %dma_start3A_221] : memref<2048x64xf32, #tpu.memory_space<vmem_shared>> -> memref<2048x64xf32, #tpu.memory_space<vmem_shared>>
      tpu.enqueue_indirect_dma source(%dma_start3A_219 : memref<128x64xf32, #tpu.memory_space<vmem>>) target(%dma_start3A_222 : memref<2048x64xf32, #tpu.memory_space<vmem_shared>>) offsets(%arg7 : memref<128xi32, #tpu.memory_space<vmem>>) semaphore(%run_scoped3A_215 : memref<!tpu.dma_semaphore, #tpu.memory_space<semaphore_mem>>) {add = true}
      %dma_wait3A_223 = arith.constant 0 : i32
      %dma_wait3A_224 = arith.constant 0 : i32
      %dma_wait3A_225 = tpu.memref_slice %arg8[%run_scoped3A_162, %dma_wait3A_223, %dma_wait3A_224] : memref<8x128x64xf32, #tpu.memory_space<vmem>> -> memref<1x128x64xf32, #tpu.memory_space<vmem>>
      %dma_wait3A_226 = tpu.memref_squeeze %dma_wait3A_225 : memref<1x128x64xf32, #tpu.memory_space<vmem>> -> memref<128x64xf32, #tpu.memory_space<vmem>>
      %dma_wait3A_227 = arith.constant 0 : i32
      %dma_wait3A_228 = arith.constant 0 : i32
      %dma_wait3A_229 = tpu.memref_slice %arg10[%dma_wait3A_227, %dma_wait3A_228] : memref<2048x64xf32, #tpu.memory_space<vmem_shared>> -> memref<2048x64xf32, #tpu.memory_space<vmem_shared>>
      tpu.wait_indirect_dma semaphore(%run_scoped3A_215 : memref<!tpu.dma_semaphore, #tpu.memory_space<semaphore_mem>>) src(%dma_wait3A_226 : memref<128x64xf32, #tpu.memory_space<vmem>>) dst(%dma_wait3A_229 : memref<2048x64xf32, #tpu.memory_space<vmem_shared>>)
      tpu.yield
    }) : () -> ()
    %dma_wait3A_163 = arith.constant 0 : i32
    %dma_wait3A_164 = arith.constant 4 : i32
    %dma_wait3A_165 = arith.constant 0 : i32
    %dma_wait3A_166 = arith.constant 0 : i32
    %dma_wait3A_167 = tpu.memref_slice %arg8[%dma_wait3A_164, %dma_wait3A_165, %dma_wait3A_166] : memref<8x128x64xf32, #tpu.memory_space<vmem>> -> memref<1x128x64xf32, #tpu.memory_space<vmem>>
    %dma_wait3A_168 = tpu.memref_squeeze %dma_wait3A_167 : memref<1x128x64xf32, #tpu.memory_space<vmem>> -> memref<128x64xf32, #tpu.memory_space<vmem>>
    %dma_wait3A_169 = arith.constant 0 : i32
    %dma_wait3A_170 = tpu.memref_slice %arg6[%dma_wait3A_163, %dma_wait3A_169] : memref<200x128xi32, #tpu.memory_space<vmem>> -> memref<1x128xi32, #tpu.memory_space<vmem>>
    %dma_wait3A_171 = tpu.memref_squeeze %dma_wait3A_170 : memref<1x128xi32, #tpu.memory_space<vmem>> -> memref<128xi32, #tpu.memory_space<vmem>>
    %dma_wait3A_172 = arith.constant 0 : i32
    %dma_wait3A_173 = arith.constant 0 : i32
    %dma_wait3A_174 = tpu.memref_slice %arg2[%dma_wait3A_172, %dma_wait3A_173] : memref<1015808x64xf32, #tpu.memory_space<hbm>> -> memref<1015808x64xf32, #tpu.memory_space<hbm>>
    tpu.wait_indirect_dma semaphore(%arg15 : memref<!tpu.dma_semaphore, #tpu.memory_space<semaphore_mem>>) src(%dma_wait3A_174 : memref<1015808x64xf32, #tpu.memory_space<hbm>>) dst(%dma_wait3A_168 : memref<128x64xf32, #tpu.memory_space<vmem>>)
    %run_scoped3A_175 = arith.constant 4 : i32
    "tpu.region"() ({
      %run_scoped3A_215 = tpu.sem_alloc : memref<!tpu.dma_semaphore, #tpu.memory_space<semaphore_mem>>
      %dma_start3A_216 = arith.constant 0 : i32
      %dma_start3A_217 = arith.constant 0 : i32
      %dma_start3A_218 = tpu.memref_slice %arg8[%run_scoped3A_175, %dma_start3A_216, %dma_start3A_217] : memref<8x128x64xf32, #tpu.memory_space<vmem>> -> memref<1x128x64xf32, #tpu.memory_space<vmem>>
      %dma_start3A_219 = tpu.memref_squeeze %dma_start3A_218 : memref<1x128x64xf32, #tpu.memory_space<vmem>> -> memref<128x64xf32, #tpu.memory_space<vmem>>
      %dma_start3A_220 = arith.constant 0 : i32
      %dma_start3A_221 = arith.constant 0 : i32
      %dma_start3A_222 = tpu.memref_slice %arg10[%dma_start3A_220, %dma_start3A_221] : memref<2048x64xf32, #tpu.memory_space<vmem_shared>> -> memref<2048x64xf32, #tpu.memory_space<vmem_shared>>
      tpu.enqueue_indirect_dma source(%dma_start3A_219 : memref<128x64xf32, #tpu.memory_space<vmem>>) target(%dma_start3A_222 : memref<2048x64xf32, #tpu.memory_space<vmem_shared>>) offsets(%arg7 : memref<128xi32, #tpu.memory_space<vmem>>) semaphore(%run_scoped3A_215 : memref<!tpu.dma_semaphore, #tpu.memory_space<semaphore_mem>>) {add = true}
      %dma_wait3A_223 = arith.constant 0 : i32
      %dma_wait3A_224 = arith.constant 0 : i32
      %dma_wait3A_225 = tpu.memref_slice %arg8[%run_scoped3A_175, %dma_wait3A_223, %dma_wait3A_224] : memref<8x128x64xf32, #tpu.memory_space<vmem>> -> memref<1x128x64xf32, #tpu.memory_space<vmem>>
      %dma_wait3A_226 = tpu.memref_squeeze %dma_wait3A_225 : memref<1x128x64xf32, #tpu.memory_space<vmem>> -> memref<128x64xf32, #tpu.memory_space<vmem>>
      %dma_wait3A_227 = arith.constant 0 : i32
      %dma_wait3A_228 = arith.constant 0 : i32
      %dma_wait3A_229 = tpu.memref_slice %arg10[%dma_wait3A_227, %dma_wait3A_228] : memref<2048x64xf32, #tpu.memory_space<vmem_shared>> -> memref<2048x64xf32, #tpu.memory_space<vmem_shared>>
      tpu.wait_indirect_dma semaphore(%run_scoped3A_215 : memref<!tpu.dma_semaphore, #tpu.memory_space<semaphore_mem>>) src(%dma_wait3A_226 : memref<128x64xf32, #tpu.memory_space<vmem>>) dst(%dma_wait3A_229 : memref<2048x64xf32, #tpu.memory_space<vmem_shared>>)
      tpu.yield
    }) : () -> ()
    %dma_wait3A_176 = arith.constant 0 : i32
    %dma_wait3A_177 = arith.constant 5 : i32
    %dma_wait3A_178 = arith.constant 0 : i32
    %dma_wait3A_179 = arith.constant 0 : i32
    %dma_wait3A_180 = tpu.memref_slice %arg8[%dma_wait3A_177, %dma_wait3A_178, %dma_wait3A_179] : memref<8x128x64xf32, #tpu.memory_space<vmem>> -> memref<1x128x64xf32, #tpu.memory_space<vmem>>
    %dma_wait3A_181 = tpu.memref_squeeze %dma_wait3A_180 : memref<1x128x64xf32, #tpu.memory_space<vmem>> -> memref<128x64xf32, #tpu.memory_space<vmem>>
    %dma_wait3A_182 = arith.constant 0 : i32
    %dma_wait3A_183 = tpu.memref_slice %arg6[%dma_wait3A_176, %dma_wait3A_182] : memref<200x128xi32, #tpu.memory_space<vmem>> -> memref<1x128xi32, #tpu.memory_space<vmem>>
    %dma_wait3A_184 = tpu.memref_squeeze %dma_wait3A_183 : memref<1x128xi32, #tpu.memory_space<vmem>> -> memref<128xi32, #tpu.memory_space<vmem>>
    %dma_wait3A_185 = arith.constant 0 : i32
    %dma_wait3A_186 = arith.constant 0 : i32
    %dma_wait3A_187 = tpu.memref_slice %arg2[%dma_wait3A_185, %dma_wait3A_186] : memref<1015808x64xf32, #tpu.memory_space<hbm>> -> memref<1015808x64xf32, #tpu.memory_space<hbm>>
    tpu.wait_indirect_dma semaphore(%arg16 : memref<!tpu.dma_semaphore, #tpu.memory_space<semaphore_mem>>) src(%dma_wait3A_187 : memref<1015808x64xf32, #tpu.memory_space<hbm>>) dst(%dma_wait3A_181 : memref<128x64xf32, #tpu.memory_space<vmem>>)
    %run_scoped3A_188 = arith.constant 5 : i32
    "tpu.region"() ({
      %run_scoped3A_215 = tpu.sem_alloc : memref<!tpu.dma_semaphore, #tpu.memory_space<semaphore_mem>>
      %dma_start3A_216 = arith.constant 0 : i32
      %dma_start3A_217 = arith.constant 0 : i32
      %dma_start3A_218 = tpu.memref_slice %arg8[%run_scoped3A_188, %dma_start3A_216, %dma_start3A_217] : memref<8x128x64xf32, #tpu.memory_space<vmem>> -> memref<1x128x64xf32, #tpu.memory_space<vmem>>
      %dma_start3A_219 = tpu.memref_squeeze %dma_start3A_218 : memref<1x128x64xf32, #tpu.memory_space<vmem>> -> memref<128x64xf32, #tpu.memory_space<vmem>>
      %dma_start3A_220 = arith.constant 0 : i32
      %dma_start3A_221 = arith.constant 0 : i32
      %dma_start3A_222 = tpu.memref_slice %arg10[%dma_start3A_220, %dma_start3A_221] : memref<2048x64xf32, #tpu.memory_space<vmem_shared>> -> memref<2048x64xf32, #tpu.memory_space<vmem_shared>>
      tpu.enqueue_indirect_dma source(%dma_start3A_219 : memref<128x64xf32, #tpu.memory_space<vmem>>) target(%dma_start3A_222 : memref<2048x64xf32, #tpu.memory_space<vmem_shared>>) offsets(%arg7 : memref<128xi32, #tpu.memory_space<vmem>>) semaphore(%run_scoped3A_215 : memref<!tpu.dma_semaphore, #tpu.memory_space<semaphore_mem>>) {add = true}
      %dma_wait3A_223 = arith.constant 0 : i32
      %dma_wait3A_224 = arith.constant 0 : i32
      %dma_wait3A_225 = tpu.memref_slice %arg8[%run_scoped3A_188, %dma_wait3A_223, %dma_wait3A_224] : memref<8x128x64xf32, #tpu.memory_space<vmem>> -> memref<1x128x64xf32, #tpu.memory_space<vmem>>
      %dma_wait3A_226 = tpu.memref_squeeze %dma_wait3A_225 : memref<1x128x64xf32, #tpu.memory_space<vmem>> -> memref<128x64xf32, #tpu.memory_space<vmem>>
      %dma_wait3A_227 = arith.constant 0 : i32
      %dma_wait3A_228 = arith.constant 0 : i32
      %dma_wait3A_229 = tpu.memref_slice %arg10[%dma_wait3A_227, %dma_wait3A_228] : memref<2048x64xf32, #tpu.memory_space<vmem_shared>> -> memref<2048x64xf32, #tpu.memory_space<vmem_shared>>
      tpu.wait_indirect_dma semaphore(%run_scoped3A_215 : memref<!tpu.dma_semaphore, #tpu.memory_space<semaphore_mem>>) src(%dma_wait3A_226 : memref<128x64xf32, #tpu.memory_space<vmem>>) dst(%dma_wait3A_229 : memref<2048x64xf32, #tpu.memory_space<vmem_shared>>)
      tpu.yield
    }) : () -> ()
    %dma_wait3A_189 = arith.constant 0 : i32
    %dma_wait3A_190 = arith.constant 6 : i32
    %dma_wait3A_191 = arith.constant 0 : i32
    %dma_wait3A_192 = arith.constant 0 : i32
    %dma_wait3A_193 = tpu.memref_slice %arg8[%dma_wait3A_190, %dma_wait3A_191, %dma_wait3A_192] : memref<8x128x64xf32, #tpu.memory_space<vmem>> -> memref<1x128x64xf32, #tpu.memory_space<vmem>>
    %dma_wait3A_194 = tpu.memref_squeeze %dma_wait3A_193 : memref<1x128x64xf32, #tpu.memory_space<vmem>> -> memref<128x64xf32, #tpu.memory_space<vmem>>
    %dma_wait3A_195 = arith.constant 0 : i32
    %dma_wait3A_196 = tpu.memref_slice %arg6[%dma_wait3A_189, %dma_wait3A_195] : memref<200x128xi32, #tpu.memory_space<vmem>> -> memref<1x128xi32, #tpu.memory_space<vmem>>
    %dma_wait3A_197 = tpu.memref_squeeze %dma_wait3A_196 : memref<1x128xi32, #tpu.memory_space<vmem>> -> memref<128xi32, #tpu.memory_space<vmem>>
    %dma_wait3A_198 = arith.constant 0 : i32
    %dma_wait3A_199 = arith.constant 0 : i32
    %dma_wait3A_200 = tpu.memref_slice %arg2[%dma_wait3A_198, %dma_wait3A_199] : memref<1015808x64xf32, #tpu.memory_space<hbm>> -> memref<1015808x64xf32, #tpu.memory_space<hbm>>
    tpu.wait_indirect_dma semaphore(%arg17 : memref<!tpu.dma_semaphore, #tpu.memory_space<semaphore_mem>>) src(%dma_wait3A_200 : memref<1015808x64xf32, #tpu.memory_space<hbm>>) dst(%dma_wait3A_194 : memref<128x64xf32, #tpu.memory_space<vmem>>)
    %run_scoped3A_201 = arith.constant 6 : i32
    "tpu.region"() ({
      %run_scoped3A_215 = tpu.sem_alloc : memref<!tpu.dma_semaphore, #tpu.memory_space<semaphore_mem>>
      %dma_start3A_216 = arith.constant 0 : i32
      %dma_start3A_217 = arith.constant 0 : i32
      %dma_start3A_218 = tpu.memref_slice %arg8[%run_scoped3A_201, %dma_start3A_216, %dma_start3A_217] : memref<8x128x64xf32, #tpu.memory_space<vmem>> -> memref<1x128x64xf32, #tpu.memory_space<vmem>>
      %dma_start3A_219 = tpu.memref_squeeze %dma_start3A_218 : memref<1x128x64xf32, #tpu.memory_space<vmem>> -> memref<128x64xf32, #tpu.memory_space<vmem>>
      %dma_start3A_220 = arith.constant 0 : i32
      %dma_start3A_221 = arith.constant 0 : i32
      %dma_start3A_222 = tpu.memref_slice %arg10[%dma_start3A_220, %dma_start3A_221] : memref<2048x64xf32, #tpu.memory_space<vmem_shared>> -> memref<2048x64xf32, #tpu.memory_space<vmem_shared>>
      tpu.enqueue_indirect_dma source(%dma_start3A_219 : memref<128x64xf32, #tpu.memory_space<vmem>>) target(%dma_start3A_222 : memref<2048x64xf32, #tpu.memory_space<vmem_shared>>) offsets(%arg7 : memref<128xi32, #tpu.memory_space<vmem>>) semaphore(%run_scoped3A_215 : memref<!tpu.dma_semaphore, #tpu.memory_space<semaphore_mem>>) {add = true}
      %dma_wait3A_223 = arith.constant 0 : i32
      %dma_wait3A_224 = arith.constant 0 : i32
      %dma_wait3A_225 = tpu.memref_slice %arg8[%run_scoped3A_201, %dma_wait3A_223, %dma_wait3A_224] : memref<8x128x64xf32, #tpu.memory_space<vmem>> -> memref<1x128x64xf32, #tpu.memory_space<vmem>>
      %dma_wait3A_226 = tpu.memref_squeeze %dma_wait3A_225 : memref<1x128x64xf32, #tpu.memory_space<vmem>> -> memref<128x64xf32, #tpu.memory_space<vmem>>
      %dma_wait3A_227 = arith.constant 0 : i32
      %dma_wait3A_228 = arith.constant 0 : i32
      %dma_wait3A_229 = tpu.memref_slice %arg10[%dma_wait3A_227, %dma_wait3A_228] : memref<2048x64xf32, #tpu.memory_space<vmem_shared>> -> memref<2048x64xf32, #tpu.memory_space<vmem_shared>>
      tpu.wait_indirect_dma semaphore(%run_scoped3A_215 : memref<!tpu.dma_semaphore, #tpu.memory_space<semaphore_mem>>) src(%dma_wait3A_226 : memref<128x64xf32, #tpu.memory_space<vmem>>) dst(%dma_wait3A_229 : memref<2048x64xf32, #tpu.memory_space<vmem_shared>>)
      tpu.yield
    }) : () -> ()
    %dma_wait3A_202 = arith.constant 0 : i32
    %dma_wait3A_203 = arith.constant 7 : i32
    %dma_wait3A_204 = arith.constant 0 : i32
    %dma_wait3A_205 = arith.constant 0 : i32
    %dma_wait3A_206 = tpu.memref_slice %arg8[%dma_wait3A_203, %dma_wait3A_204, %dma_wait3A_205] : memref<8x128x64xf32, #tpu.memory_space<vmem>> -> memref<1x128x64xf32, #tpu.memory_space<vmem>>
    %dma_wait3A_207 = tpu.memref_squeeze %dma_wait3A_206 : memref<1x128x64xf32, #tpu.memory_space<vmem>> -> memref<128x64xf32, #tpu.memory_space<vmem>>
    %dma_wait3A_208 = arith.constant 0 : i32
    %dma_wait3A_209 = tpu.memref_slice %arg6[%dma_wait3A_202, %dma_wait3A_208] : memref<200x128xi32, #tpu.memory_space<vmem>> -> memref<1x128xi32, #tpu.memory_space<vmem>>
    %dma_wait3A_210 = tpu.memref_squeeze %dma_wait3A_209 : memref<1x128xi32, #tpu.memory_space<vmem>> -> memref<128xi32, #tpu.memory_space<vmem>>
    %dma_wait3A_211 = arith.constant 0 : i32
    %dma_wait3A_212 = arith.constant 0 : i32
    %dma_wait3A_213 = tpu.memref_slice %arg2[%dma_wait3A_211, %dma_wait3A_212] : memref<1015808x64xf32, #tpu.memory_space<hbm>> -> memref<1015808x64xf32, #tpu.memory_space<hbm>>
    tpu.wait_indirect_dma semaphore(%arg18 : memref<!tpu.dma_semaphore, #tpu.memory_space<semaphore_mem>>) src(%dma_wait3A_213 : memref<1015808x64xf32, #tpu.memory_space<hbm>>) dst(%dma_wait3A_207 : memref<128x64xf32, #tpu.memory_space<vmem>>)
    %run_scoped3A_214 = arith.constant 7 : i32
    "tpu.region"() ({
      %run_scoped3A_215 = tpu.sem_alloc : memref<!tpu.dma_semaphore, #tpu.memory_space<semaphore_mem>>
      %dma_start3A_216 = arith.constant 0 : i32
      %dma_start3A_217 = arith.constant 0 : i32
      %dma_start3A_218 = tpu.memref_slice %arg8[%run_scoped3A_214, %dma_start3A_216, %dma_start3A_217] : memref<8x128x64xf32, #tpu.memory_space<vmem>> -> memref<1x128x64xf32, #tpu.memory_space<vmem>>
      %dma_start3A_219 = tpu.memref_squeeze %dma_start3A_218 : memref<1x128x64xf32, #tpu.memory_space<vmem>> -> memref<128x64xf32, #tpu.memory_space<vmem>>
      %dma_start3A_220 = arith.constant 0 : i32
      %dma_start3A_221 = arith.constant 0 : i32
      %dma_start3A_222 = tpu.memref_slice %arg10[%dma_start3A_220, %dma_start3A_221] : memref<2048x64xf32, #tpu.memory_space<vmem_shared>> -> memref<2048x64xf32, #tpu.memory_space<vmem_shared>>
      tpu.enqueue_indirect_dma source(%dma_start3A_219 : memref<128x64xf32, #tpu.memory_space<vmem>>) target(%dma_start3A_222 : memref<2048x64xf32, #tpu.memory_space<vmem_shared>>) offsets(%arg7 : memref<128xi32, #tpu.memory_space<vmem>>) semaphore(%run_scoped3A_215 : memref<!tpu.dma_semaphore, #tpu.memory_space<semaphore_mem>>) {add = true}
      %dma_wait3A_223 = arith.constant 0 : i32
      %dma_wait3A_224 = arith.constant 0 : i32
      %dma_wait3A_225 = tpu.memref_slice %arg8[%run_scoped3A_214, %dma_wait3A_223, %dma_wait3A_224] : memref<8x128x64xf32, #tpu.memory_space<vmem>> -> memref<1x128x64xf32, #tpu.memory_space<vmem>>
      %dma_wait3A_226 = tpu.memref_squeeze %dma_wait3A_225 : memref<1x128x64xf32, #tpu.memory_space<vmem>> -> memref<128x64xf32, #tpu.memory_space<vmem>>
      %dma_wait3A_227 = arith.constant 0 : i32
      %dma_wait3A_228 = arith.constant 0 : i32
      %dma_wait3A_229 = tpu.memref_slice %arg10[%dma_wait3A_227, %dma_wait3A_228] : memref<2048x64xf32, #tpu.memory_space<vmem_shared>> -> memref<2048x64xf32, #tpu.memory_space<vmem_shared>>
      tpu.wait_indirect_dma semaphore(%run_scoped3A_215 : memref<!tpu.dma_semaphore, #tpu.memory_space<semaphore_mem>>) src(%dma_wait3A_226 : memref<128x64xf32, #tpu.memory_space<vmem>>) dst(%dma_wait3A_229 : memref<2048x64xf32, #tpu.memory_space<vmem_shared>>)
      tpu.yield
    }) : () -> ()
    "tpu.region"() ({
      %run_scoped3A_215 = tpu.sem_alloc : memref<!tpu.dma_semaphore, #tpu.memory_space<semaphore_mem>>
      %dma_start3A_216 = arith.constant 0 : i32
      %dma_start3A_217 = arith.constant 0 : i32
      %dma_start3A_218 = tpu.memref_slice %arg10[%dma_start3A_216, %dma_start3A_217] : memref<2048x64xf32, #tpu.memory_space<vmem_shared>> -> memref<2048x64xf32, #tpu.memory_space<vmem_shared>>
      tpu.enqueue_indirect_dma source(%arg9 : memref<128x64xf32, #tpu.memory_space<vmem>>) target(%dma_start3A_218 : memref<2048x64xf32, #tpu.memory_space<vmem_shared>>) offsets(%arg7 : memref<128xi32, #tpu.memory_space<vmem>>) semaphore(%run_scoped3A_215 : memref<!tpu.dma_semaphore, #tpu.memory_space<semaphore_mem>>) {add = true}
      %dma_wait3A_219 = arith.constant 0 : i32
      %dma_wait3A_220 = arith.constant 0 : i32
      %dma_wait3A_221 = tpu.memref_slice %arg10[%dma_wait3A_219, %dma_wait3A_220] : memref<2048x64xf32, #tpu.memory_space<vmem_shared>> -> memref<2048x64xf32, #tpu.memory_space<vmem_shared>>
      tpu.wait_indirect_dma semaphore(%run_scoped3A_215 : memref<!tpu.dma_semaphore, #tpu.memory_space<semaphore_mem>>) src(%arg9 : memref<128x64xf32, #tpu.memory_space<vmem>>) dst(%dma_wait3A_221 : memref<2048x64xf32, #tpu.memory_space<vmem_shared>>)
      tpu.yield
    }) : () -> ()
    "tpu.region"() ({
      %run_scoped3A_215 = tpu.sem_alloc : memref<!tpu.dma_semaphore, #tpu.memory_space<semaphore_mem>>
      %dma_start3A_216 = arith.constant 0 : i32
      %dma_start3A_217 = tpu.memref_slice %arg5[%mul3A_2, %dma_start3A_216] : memref<4096x64xf32, #tpu.memory_space<hbm>> -> memref<128x64xf32, #tpu.memory_space<hbm>>
      %dma_start3A_218 = arith.constant 0 : i32
      %dma_start3A_219 = tpu.memref_slice %arg10[%mul3A_4, %dma_start3A_218] : memref<2048x64xf32, #tpu.memory_space<vmem_shared>> -> memref<128x64xf32, #tpu.memory_space<vmem_shared>>
      tpu.enqueue_dma source(%dma_start3A_219 : memref<128x64xf32, #tpu.memory_space<vmem_shared>>) target(%dma_start3A_217 : memref<128x64xf32, #tpu.memory_space<hbm>>) target_semaphore(%run_scoped3A_215 : memref<!tpu.dma_semaphore, #tpu.memory_space<semaphore_mem>>)
      %dma_wait3A_220 = arith.constant 0 : i32
      %dma_wait3A_221 = tpu.memref_slice %arg5[%mul3A_2, %dma_wait3A_220] : memref<4096x64xf32, #tpu.memory_space<hbm>> -> memref<128x64xf32, #tpu.memory_space<hbm>>
      %dma_wait3A_222 = arith.constant 0 : i32
      %dma_wait3A_223 = tpu.memref_slice %arg10[%mul3A_4, %dma_wait3A_222] : memref<2048x64xf32, #tpu.memory_space<vmem_shared>> -> memref<128x64xf32, #tpu.memory_space<vmem_shared>>
      tpu.wait_dma2 semaphore(%run_scoped3A_215 : memref<!tpu.dma_semaphore, #tpu.memory_space<semaphore_mem>>) src(%dma_wait3A_223 : memref<128x64xf32, #tpu.memory_space<vmem_shared>>) dst(%dma_wait3A_221 : memref<128x64xf32, #tpu.memory_space<hbm>>)
      tpu.yield
    }) : () -> ()
    return
  }
}

module attributes {stable_mosaic.version = 14 : i64} {
  func.func @body(%arg0: i32, %arg1: memref<64x16384xf32, #tpu.memory_space<vmem>>, %arg2: memref<8192x128xf32, #tpu.memory_space<vmem>>) attributes {dimension_semantics = [#tpu.dimension_semantics<arbitrary>], iteration_bounds = array<i64: 62>, scalar_prefetch = 0 : i64, scratch_operands = 0 : i64, tpu.core_type = #tpu.core_type<tc>, window_params = [{transform_indices = @transform_0, window_bounds = array<i64: 64, 16384>}, {transform_indices = @transform_1, window_bounds = array<i64: 8192, 128>}]} {
    %get3A = arith.constant 0 : index
    %get3A_0 = arith.constant 0 : index
    %get3A_1 = vector.load %arg1[%get3A, %get3A_0] : memref<64x16384xf32, #tpu.memory_space<vmem>>, vector<64x16384xf32>
    %slice3A = vector.extract_strided_slice %get3A_1 {offsets = [0, 0], sizes = [64, 8192], strides = [1, 1]} : vector<64x16384xf32> to vector<64x8192xf32>
    %transpose3A = tpu.transpose %slice3A, [1, 0] : vector<64x8192xf32> -> vector<8192x64xf32>
    %swap3A = arith.constant 0 : index
    %swap3A_2 = arith.constant 0 : index
    %swap3A_3 = vector.load %arg2[%swap3A, %swap3A_2] : memref<8192x128xf32, #tpu.memory_space<vmem>>, vector<8192x64xf32>
    tpu.vector_store %arg2[%swap3A, %swap3A_2], %transpose3A {strides = array<i32>} : memref<8192x128xf32, #tpu.memory_space<vmem>>, vector<8192x64xf32>,
    %slice3A_4 = vector.extract_strided_slice %get3A_1 {offsets = [0, 8192], sizes = [64, 8192], strides = [1, 1]} : vector<64x16384xf32> to vector<64x8192xf32>
    %transpose3A_5 = tpu.transpose %slice3A_4, [1, 0] : vector<64x8192xf32> -> vector<8192x64xf32>
    %swap3A_6 = arith.constant 0 : index
    %swap3A_7 = arith.constant 64 : index
    %swap3A_8 = vector.load %arg2[%swap3A_6, %swap3A_7] : memref<8192x128xf32, #tpu.memory_space<vmem>>, vector<8192x64xf32>
    tpu.vector_store %arg2[%swap3A_6, %swap3A_7], %transpose3A_5 {strides = array<i32>} : memref<8192x128xf32, #tpu.memory_space<vmem>>, vector<8192x64xf32>,
    return
  }
  func.func @transform_0(%arg0: i32) -> (i32, i32) {
    %c0_i32 = arith.constant 0 : i32
    %c0_i32_0 = arith.constant 0 : i32
    return %c0_i32, %arg0 : i32, i32
  }
  func.func @transform_1(%arg0: i32) -> (i32, i32) {
    %c0_i32 = arith.constant 0 : i32
    %c0_i32_0 = arith.constant 0 : i32
    return %arg0, %c0_i32 : i32, i32
  }
}

module attributes {stable_mosaic.version = 14 : i64} {
  func.func @body(%arg0: memref<4096x64xf32, #tpu.memory_space<vmem>>, %arg1: memref<256x64xf32, #tpu.memory_space<vmem>>, %arg2: memref<1x256xf32, #tpu.memory_space<vmem>>, %arg3: memref<1x256xf32, #tpu.memory_space<vmem>>, %arg4: memref<1x256xf32, #tpu.memory_space<vmem>>, %arg5: memref<128x256xf32, #tpu.memory_space<vmem>>, %arg6: memref<1x128xf32, #tpu.memory_space<vmem>>, %arg7: memref<1x128xf32, #tpu.memory_space<vmem>>, %arg8: memref<1x128xf32, #tpu.memory_space<vmem>>, %arg9: memref<4096x128xf32, #tpu.memory_space<vmem>>) attributes {dimension_semantics = [], scalar_prefetch = 0 : i64, scratch_operands = 0 : i64, tpu.core_type = #tpu.core_type<tc>} {
    %get3A = arith.constant 0 : index
    %get3A_0 = arith.constant 0 : index
    %get3A_1 = vector.load %arg0[%get3A, %get3A_0] : memref<4096x64xf32, #tpu.memory_space<vmem>>, vector<4096x64xf32>
    %mul3A = arith.constant 5.000000e-03 : f32
    %mul3A_2 = vector.broadcast %mul3A : f32 to vector<4096x64xf32>
    %mul3A_3 = arith.mulf %get3A_1, %mul3A_2 : vector<4096x64xf32>
    %get3A_4 = arith.constant 0 : index
    %get3A_5 = arith.constant 0 : index
    %get3A_6 = vector.load %arg1[%get3A_4, %get3A_5] : memref<256x64xf32, #tpu.memory_space<vmem>>, vector<256x64xf32>
    %dot_general3A = arith.constant dense<0.000000e+00> : vector<4096x256xf32>
    %dot_general3A_7 = tpu.matmul %mul3A_3, %get3A_6, %dot_general3A {dimension_numbers = #tpu.dot_dimension_numbers<[1], [1], [0], [0], [0, 0, 1, 0], [], []>, transpose_lhs_hint = false} : vector<4096x64xf32>, vector<256x64xf32>, vector<4096x256xf32> -> vector<4096x256xf32>
    %get3A_8 = arith.constant 0 : index
    %get3A_9 = arith.constant 0 : index
    %get3A_10 = vector.load %arg2[%get3A_8, %get3A_9] : memref<1x256xf32, #tpu.memory_space<vmem>>, vector<1x256xf32>
    %add3A = vector.broadcast %get3A_10 : vector<1x256xf32> to vector<4096x256xf32>
    %add3A_11 = arith.addf %dot_general3A_7, %add3A : vector<4096x256xf32>
    %reduce_sum3A = arith.constant dense<0.000000e+00> : vector<256xf32>
    %reduce_sum3A_12 = vector.multi_reduction <add>, %add3A_11, %reduce_sum3A [0] : vector<4096x256xf32> to vector<256xf32>
    %broadcast_in_dim3A = vector.shape_cast %reduce_sum3A_12 : vector<256xf32> to vector<1x256xf32>
    %div3A = arith.constant 4.096000e+03 : f32
    %div3A_13 = vector.broadcast %div3A : f32 to vector<1x256xf32>
    %div3A_14 = arith.divf %broadcast_in_dim3A, %div3A_13 : vector<1x256xf32>
    %sub3A = vector.broadcast %div3A_14 : vector<1x256xf32> to vector<4096x256xf32>
    %sub3A_15 = arith.subf %add3A_11, %sub3A : vector<4096x256xf32>
    %integer_pow3A = arith.mulf %sub3A_15, %sub3A_15 : vector<4096x256xf32>
    %reduce_sum3A_16 = arith.constant dense<0.000000e+00> : vector<256xf32>
    %reduce_sum3A_17 = vector.multi_reduction <add>, %integer_pow3A, %reduce_sum3A_16 [0] : vector<4096x256xf32> to vector<256xf32>
    %broadcast_in_dim3A_18 = vector.shape_cast %reduce_sum3A_17 : vector<256xf32> to vector<1x256xf32>
    %div3A_19 = arith.constant 4.096000e+03 : f32
    %div3A_20 = vector.broadcast %div3A_19 : f32 to vector<1x256xf32>
    %div3A_21 = arith.divf %broadcast_in_dim3A_18, %div3A_20 : vector<1x256xf32>
    %get3A_22 = arith.constant 0 : index
    %get3A_23 = arith.constant 0 : index
    %get3A_24 = vector.load %arg3[%get3A_22, %get3A_23] : memref<1x256xf32, #tpu.memory_space<vmem>>, vector<1x256xf32>
    %sub3A_25 = vector.broadcast %div3A_14 : vector<1x256xf32> to vector<4096x256xf32>
    %sub3A_26 = arith.subf %add3A_11, %sub3A_25 : vector<4096x256xf32>
    %mul3A_27 = vector.broadcast %get3A_24 : vector<1x256xf32> to vector<4096x256xf32>
    %mul3A_28 = arith.mulf %mul3A_27, %sub3A_26 : vector<4096x256xf32>
    %add3A_29 = arith.constant 9.99999974E-6 : f32
    %add3A_30 = vector.broadcast %add3A_29 : f32 to vector<1x256xf32>
    %add3A_31 = arith.addf %div3A_21, %add3A_30 : vector<1x256xf32>
    %rsqrt3A = math.rsqrt %add3A_31 : vector<1x256xf32>
    %mul3A_32 = vector.broadcast %rsqrt3A : vector<1x256xf32> to vector<4096x256xf32>
    %mul3A_33 = arith.mulf %mul3A_28, %mul3A_32 : vector<4096x256xf32>
    %get3A_34 = arith.constant 0 : index
    %get3A_35 = arith.constant 0 : index
    %get3A_36 = vector.load %arg4[%get3A_34, %get3A_35] : memref<1x256xf32, #tpu.memory_space<vmem>>, vector<1x256xf32>
    %add3A_37 = vector.broadcast %get3A_36 : vector<1x256xf32> to vector<4096x256xf32>
    %add3A_38 = arith.addf %mul3A_33, %add3A_37 : vector<4096x256xf32>
    %max3A = arith.constant 0.000000e+00 : f32
    %max3A_39 = vector.broadcast %max3A : f32 to vector<4096x256xf32>
    %max3A_40 = arith.maximumf %add3A_38, %max3A_39 : vector<4096x256xf32>
    %get3A_41 = arith.constant 0 : index
    %get3A_42 = arith.constant 0 : index
    %get3A_43 = vector.load %arg5[%get3A_41, %get3A_42] : memref<128x256xf32, #tpu.memory_space<vmem>>, vector<128x256xf32>
    %dot_general3A_44 = arith.constant dense<0.000000e+00> : vector<4096x128xf32>
    %dot_general3A_45 = tpu.matmul %max3A_40, %get3A_43, %dot_general3A_44 {dimension_numbers = #tpu.dot_dimension_numbers<[1], [1], [0], [0], [0, 0, 1, 0], [], []>, transpose_lhs_hint = false} : vector<4096x256xf32>, vector<128x256xf32>, vector<4096x128xf32> -> vector<4096x128xf32>
    %get3A_46 = arith.constant 0 : index
    %get3A_47 = arith.constant 0 : index
    %get3A_48 = vector.load %arg6[%get3A_46, %get3A_47] : memref<1x128xf32, #tpu.memory_space<vmem>>, vector<1x128xf32>
    %add3A_49 = vector.broadcast %get3A_48 : vector<1x128xf32> to vector<4096x128xf32>
    %add3A_50 = arith.addf %dot_general3A_45, %add3A_49 : vector<4096x128xf32>
    %reduce_sum3A_51 = arith.constant dense<0.000000e+00> : vector<128xf32>
    %reduce_sum3A_52 = vector.multi_reduction <add>, %add3A_50, %reduce_sum3A_51 [0] : vector<4096x128xf32> to vector<128xf32>
    %broadcast_in_dim3A_53 = vector.shape_cast %reduce_sum3A_52 : vector<128xf32> to vector<1x128xf32>
    %div3A_54 = arith.constant 4.096000e+03 : f32
    %div3A_55 = vector.broadcast %div3A_54 : f32 to vector<1x128xf32>
    %div3A_56 = arith.divf %broadcast_in_dim3A_53, %div3A_55 : vector<1x128xf32>
    %sub3A_57 = vector.broadcast %div3A_56 : vector<1x128xf32> to vector<4096x128xf32>
    %sub3A_58 = arith.subf %add3A_50, %sub3A_57 : vector<4096x128xf32>
    %integer_pow3A_59 = arith.mulf %sub3A_58, %sub3A_58 : vector<4096x128xf32>
    %reduce_sum3A_60 = arith.constant dense<0.000000e+00> : vector<128xf32>
    %reduce_sum3A_61 = vector.multi_reduction <add>, %integer_pow3A_59, %reduce_sum3A_60 [0] : vector<4096x128xf32> to vector<128xf32>
    %broadcast_in_dim3A_62 = vector.shape_cast %reduce_sum3A_61 : vector<128xf32> to vector<1x128xf32>
    %div3A_63 = arith.constant 4.096000e+03 : f32
    %div3A_64 = vector.broadcast %div3A_63 : f32 to vector<1x128xf32>
    %div3A_65 = arith.divf %broadcast_in_dim3A_62, %div3A_64 : vector<1x128xf32>
    %get3A_66 = arith.constant 0 : index
    %get3A_67 = arith.constant 0 : index
    %get3A_68 = vector.load %arg7[%get3A_66, %get3A_67] : memref<1x128xf32, #tpu.memory_space<vmem>>, vector<1x128xf32>
    %sub3A_69 = vector.broadcast %div3A_56 : vector<1x128xf32> to vector<4096x128xf32>
    %sub3A_70 = arith.subf %add3A_50, %sub3A_69 : vector<4096x128xf32>
    %mul3A_71 = vector.broadcast %get3A_68 : vector<1x128xf32> to vector<4096x128xf32>
    %mul3A_72 = arith.mulf %mul3A_71, %sub3A_70 : vector<4096x128xf32>
    %add3A_73 = arith.constant 9.99999974E-6 : f32
    %add3A_74 = vector.broadcast %add3A_73 : f32 to vector<1x128xf32>
    %add3A_75 = arith.addf %div3A_65, %add3A_74 : vector<1x128xf32>
    %rsqrt3A_76 = math.rsqrt %add3A_75 : vector<1x128xf32>
    %mul3A_77 = vector.broadcast %rsqrt3A_76 : vector<1x128xf32> to vector<4096x128xf32>
    %mul3A_78 = arith.mulf %mul3A_72, %mul3A_77 : vector<4096x128xf32>
    %get3A_79 = arith.constant 0 : index
    %get3A_80 = arith.constant 0 : index
    %get3A_81 = vector.load %arg8[%get3A_79, %get3A_80] : memref<1x128xf32, #tpu.memory_space<vmem>>, vector<1x128xf32>
    %add3A_82 = vector.broadcast %get3A_81 : vector<1x128xf32> to vector<4096x128xf32>
    %add3A_83 = arith.addf %mul3A_78, %add3A_82 : vector<4096x128xf32>
    %swap3A = arith.constant 0 : index
    %swap3A_84 = arith.constant 0 : index
    %swap3A_85 = vector.load %arg9[%swap3A, %swap3A_84] : memref<4096x128xf32, #tpu.memory_space<vmem>>, vector<4096x128xf32>
    tpu.vector_store %arg9[%swap3A, %swap3A_84], %add3A_83 {strides = array<i32>} : memref<4096x128xf32, #tpu.memory_space<vmem>>, vector<4096x128xf32>,
    return
  }
}

</mosaic_0001>

<sc_bundles>
// kernel: kernel.5.cloned.1.call-start
scs
__scs_entry_jumppad:
0x0: {  	(pc) =	sbr.rel $0x88, $3  }
0x1: {  	(tag) =	ssettag $0x0;
	lr =	simm.s32 $0x1  }
0x2: {  	[smem:$0x3F97] =	sst lr;
	_ =	strace $0xD0000000  }
0x3: {  	_ = 	snop  }
0x4: {  	_ = 	snop  }
0x5: {  	_ = 	snop  }
0x6: {  	_ = 	snop  }
0x7: {  	_ = 	snop  }
__scs_overlays_trampoline_lowered:
0x8: {  	[smem:$0x3FA6] =	sst s0  }
0x9: {  	[smem:$0x3FA7] =	sst s1  }
0xa: {  	[smem:$0x3FA8] =	sst s2  }
0xb: {  	[smem:$0x3FA9] =	sst s3  }
0xc: {  	[smem:$0x3FAA] =	sst s4  }
0xd: {  	[smem:$0x3FAB] =	sst s5  }
0xe: {  	[smem:$0x3FAC] =	sst s6  }
0xf: {  	[smem:$0x3FAD] =	sst s7  }
0x10: {  	[smem:$0x3FAE] =	sst s8  }
0x11: {  	[smem:$0x3FAF] =	sst s9;
	s0 =	simm.s32 @!p0 $0x0  }
0x12: {  	s1 =	sld [smem:$0x3F95];
	s0 =	simm.s32 @p0 $0x1  }
0x13: {  	[smem:$0x3FB0] =	sst s0;
	s0 =	simm.s32 @!p1 $0x0  }
0x14: {  	s2 =	sld [smem:$0x3F94];
	s0 =	simm.s32 @p1 $0x1  }
0x15: {  	[smem:$0x3FB1] =	sst s0;
	s0 =	simm.s32 @!p2 $0x0  }
0x16: {  	s3 =	sld [smem:$0x3FDB];
	s0 =	simm.s32 @p2 $0x1  }
0x17: {  	s4 =	simm.s32 $0x1BF5;
	[smem:$0x3FB3] =	sst s0  }
0x18: {  	s0 =	sld [smem:$0x3F96];
	_ =	swait.ge [sflag:s4], $0x0  }
0x19: {  	s7 =	sld [smem:$0x3F97]  }
0x1a: {  	s8 =	sadd.s32 $0xFFFFE003, lr  }
0x1b: {  	s9 =	sadd.s32 $0xFFFFFEF7, lr;
	s5 =	simm.s32 $0xFFFFFFFF;
	p2 =	slt.u32 s8, $0xFFFFF086  }
0x1c: {  	p1 =	slt.u32 s9, $0xF7A;
	s5 =	simm.s32 @!p2 $0x0  }
0x1d: {  	s5 =	simm.s32 @p1 $0x1;
	p0 =	seq.s32 s7, s2  }
0x1e: {  	s7 =	smul.u32 @!p0 $0xF7A, s2;
	p2 =	seq.s32 @!p0 s5, $0x0  }
0x1f: {  	s9 =	smul.u32 $0xF7A, s1;
	s8 =	simm.s32 @!p0 $0x1BF5;
	p2 =	por !p2, p0  }
0x20: {  	[sflag:s8] =	ssyncset.s32 @!p0 $0xFFFFF086;
	s6 =	sadd.s32 @!p0 s3, s7;
	s7 =	simm.s32 @!p0 $0x108  }
0x21: {  	s3 =	sadd.s32 s3, s9;
	s6 =	sadd.s32 @!p0 $0x88, s6;
	s7 =	simm.s32 @p2 $0x1082  }
0x22: {  	[simem:s7], [sflag:s8] =	dma.local @!p0 [hbm:s6], $0xF7A  }
0x23: {  	s9 =	sor.u32 $0xD0000000, s2;
	s6 =	simm.s32 $0x108;
	_ =	swait.ge @!p0 [sflag:s8], $0x0  }
0x24: {  	s3 =	sadd.s32 $0x88, s3;
	s6 =	simm.s32 @!p1 $0x1082;
	[sflag:s4] =	ssyncset.s32 $0xFFFFF086  }
0x25: {  	[simem:s6], [sflag:s4] =	dma.local [hbm:s3], $0xF7A  }
0x26: {  	[smem:$0x3F97] =	sst s1;
	(tag) =	ssettag s2;
	_ =	strace s9  }
0x27: {  	s1 =	sld [smem:$0x3FA7]  }
0x28: {  	s2 =	sld [smem:$0x3FA8]  }
0x29: {  	s4 =	sld [smem:$0x3FAA]  }
0x2a: {  	p0 =	seq.s32 s5, $0x0;
	s5 =	sld [smem:$0x3FAB]  }
0x2b: {  	s6 =	sld [smem:$0x3FAC]  }
0x2c: {  	s7 =	sld [smem:$0x3FAD]  }
0x2d: {  	s3 =	simm.s32 $0x108;
	s8 =	sld [smem:$0x3FAE]  }
0x2e: {  	s3 =	simm.s32 @!p0 $0x1082;
	s9 =	sld [smem:$0x3FAF]  }
0x2f: {  	lr =	sadd.s32 s0, s3;
	s0 =	sld [smem:$0x3FA6]  }
0x30: {  	s3 =	sld [smem:$0x3FA9]  }
0x31: {  	[smem:$0x3FB2] =	sst s10  }
0x32: {  	s10 =	sld [smem:$0x3FB0];
	_ =	sdelay $0x3  }
0x33: {  	p0 =	seq.s32 s10, $0x1;
	s10 =	sld [smem:$0x3FB2];
	_ =	sdelay $0x3  }
0x34: {  	[smem:$0x3FB2] =	sst s10  }
0x35: {  	s10 =	sld [smem:$0x3FB1];
	_ =	sdelay $0x3  }
0x36: {  	p1 =	seq.s32 s10, $0x1;
	s10 =	sld [smem:$0x3FB2];
	_ =	sdelay $0x3  }
0x37: {  	[smem:$0x3FB2] =	sst s10  }
0x38: {  	s10 =	sld [smem:$0x3FB3]  }
0x39: {  	_ = 	snop;
	(pc) =	sbr.ind lr, $3  }
0x3a: {  	_ = 	snop  }
0x3b: {  	_ = 	snop  }
0x3c: {  	p2 =	seq.s32 s10, $0x1;
	s10 =	sld [smem:$0x3FB2]  }
0x3d: {  	_ =	shalt  }
0x3e: {  	_ =	shalt  }
0x3f: {  	_ =	shalt  }
0x40: {  	_ =	shalt  }
0x41: {  	_ =	shalt  }
0x42: {  	_ =	shalt  }
0x43: {  	_ =	shalt  }
0x44: {  	_ =	shalt  }
0x45: {  	_ =	shalt  }
0x46: {  	_ =	shalt  }
0x47: {  	_ =	shalt  }
0x48: {  	_ =	shalt  }
0x49: {  	_ =	shalt  }
0x4a: {  	_ =	shalt  }
0x4b: {  	_ =	shalt  }
0x4c: {  	_ =	shalt  }
0x4d: {  	_ =	shalt  }
0x4e: {  	_ =	shalt  }
0x4f: {  	_ =	shalt  }
0x50: {  	_ =	shalt  }
0x51: {  	_ =	shalt  }
0x52: {  	_ =	shalt  }
0x53: {  	_ =	shalt  }
0x54: {  	_ =	shalt  }
0x55: {  	_ =	shalt  }
0x56: {  	_ =	shalt  }
0x57: {  	_ =	shalt  }
0x58: {  	_ =	shalt  }
0x59: {  	_ =	shalt  }
0x5a: {  	_ =	shalt  }
0x5b: {  	_ =	shalt  }
0x5c: {  	_ =	shalt  }
0x5d: {  	_ =	shalt  }
0x5e: {  	_ =	shalt  }
0x5f: {  	_ =	shalt  }
0x60: {  	_ =	shalt  }
0x61: {  	_ =	shalt  }
0x62: {  	_ =	shalt  }
0x63: {  	_ =	shalt  }
0x64: {  	_ =	shalt  }
0x65: {  	_ =	shalt  }
0x66: {  	_ =	shalt  }
0x67: {  	_ =	shalt  }
0x68: {  	_ =	shalt  }
0x69: {  	_ =	shalt  }
0x6a: {  	_ =	shalt  }
0x6b: {  	_ =	shalt  }
0x6c: {  	_ =	shalt  }
0x6d: {  	_ =	shalt  }
0x6e: {  	_ =	shalt  }
0x6f: {  	_ =	shalt  }
0x70: {  	_ =	shalt  }
0x71: {  	_ =	shalt  }
0x72: {  	_ =	shalt  }
0x73: {  	_ =	shalt  }
0x74: {  	_ =	shalt  }
0x75: {  	_ =	shalt  }
0x76: {  	_ =	shalt  }
0x77: {  	_ =	shalt  }
0x78: {  	_ =	shalt  }
0x79: {  	_ =	shalt  }
0x7a: {  	_ =	shalt  }
0x7b: {  	_ =	shalt  }
0x7c: {  	_ =	shalt  }
0x7d: {  	_ =	shalt  }
0x7e: {  	_ =	shalt  }
0x7f: {  	_ =	shalt  }
0x80: {  	_ =	shalt  }
0x81: {  	_ =	shalt  }
0x82: {  	_ =	shalt  }
0x83: {  	_ =	shalt  }
0x84: {  	_ =	shalt  }
0x85: {  	_ =	shalt  }
0x86: {  	_ =	shalt  }
0x87: {  	_ =	shalt  }
.Lfunc_end0:
.L_simem_size_0:
called_computation_lowered:
.L_overlay_start_0:
0x88: {  	s2 =	sld [smem:$0x3FD9]  }
0x89: {  	s3 =	sld [smem:$0x3FFE];
	_ =	sdelay $0x1  }
0x8a: {  	s1 =	srdreg.scid  }
0x8b: {  	s0 =	sand.u32 $0x1, s1  }
0x8c: {  	s17 =	sshll.u32 s0, $0xA;
	s2 =	sadd.s32 s3, s2  }
0x8d: {  	s2 =	sadd.s32 s2, s17  }
0x8e: {  	[smem:$0x3FBE] =	sst s2  }
0x8f: {  	_ = 	snop  }
0x90: {  	s2 =	sld [smem:$0x3FD0];
	(tm) =	ssettm $0x1  }
0x91: {  	s18 =	sld [smem:$0x3FFB];
	_ =	sdelay $0x3  }
0x92: {  	_ =	strace s18  }
0x93: {  	s3 =	sld [smem:$0x3FFC];
	_ =	sdelay $0x3  }
0x94: {  	_ =	strace s3  }
0x95: {  	s3 =	sld [smem:$0x3FFD];
	_ =	sdelay $0x3  }
0x96: {  	_ =	strace s3  }
0x97: {  	_ =	strace $0x8FFFFFFF  }
0x98: {  	s19 =	sld [smem:$0x3FDB];
	_ =	sdelay $0x1  }
0x99: {  	s4 =	simm.s32 $_scs_section_size  }
0x9a: {  	s5 =	simm.s32 $_size__tile_overlayer_lowered;
	s6 =	simm.s32 $_tile_overlayer_lowered  }
0x9b: {  	s22 =	simm.s32 $0x1BFF;
	s21 =	sshll.u32 s6, $0x1;
	s3 =	sadd.s32 s4, s19  }
0x9c: {  	s7 =	simm.s32 $0x0;
	s20 =	sshll.u32 s5, $0x1;
	s5 =	sadd.s32 s21, s3  }
0x9d: {  	[timem:s7], [sflag:s22] =	dma.local [hbm:s5], s20  }
0x9e: {  	_ =	swait.ge [sflag:s22], s20  }
0x9f: {  	s4 =	ssub.s32 $0x0, s20;
	[sflag:s22] =	ssyncset.done $0x0  }
0xa0: {  	[sflag:s22] =	ssyncadd.s32 s4;
	_ =	sdelay $0x1  }
0xa1: {  	s23 =	simm.s32 $0x1B8B  }
0xa2: {  	_ =	swait.ge [sflag:s23], $0x1  }
0xa3: {  	[sflag:s23] =	ssyncset.done $0x0  }
0xa4: {  	s25 =	simm.s32 $0x1B8E;
	s24 =	sld [smem:$0x3FFE];
	[sflag:s23] =	ssyncadd.s32 $0xFFFFFFFF  }
0xa5: {  	s26 =	simm.s32 $execute0_lowered;
	[smem:$0x3FD2] =	sst s25  }
0xa6: {  	s5 =	sshll.u32 s26, $0x1;
	_ =	strace $0x80000046;
	[dreg:$0x1] =	wrdreg $0xFFFFFFFF  }
0xa7: {  	s28 =	simm.s32 $_size_execute0_lowered;
	s3 =	sadd.s32 s3, s5;
	[dreg:$0x0] =	wrdreg $0x0  }
0xa8: {  	s5 =	sshll.u32 s28, $0x1;
	[dreg:$0x2] =	wrdreg s3  }
0xa9: {  	[dreg:$0x3] =	wrdreg s5  }
0xaa: {  	[dreg:$0x4] =	wrdreg $0xC0  }
0xab: {  	_ =	task [dreg:s7], $0x5FFFF  }
0xac: {  	[dreg:$0x1] =	wrdreg $0xFFFFFFFF  }
0xad: {  	[dreg:$0x0] =	wrdreg $0x60  }
0xae: {  	[dreg:$0x2] =	wrdreg s24  }
0xaf: {  	[dreg:$0x3] =	wrdreg s2  }
0xb0: {  	[dreg:$0x4] =	wrdreg $0x184800  }
0xb1: {  	[dreg:$0x5] =	wrdreg $0x9  }
0xb2: {  	_ =	task.clear_ibuf [dreg:s7], $0x6FFFF;
	_ =	strace $0x90000046  }
0xb3: {  	s29 =	simm.s32 $0x9;
	_ =	strace $0x80000048  }
0xb4: {  	_ =	swait.ge [sflag:s29], $0x1  }
0xb5: {  	[sflag:s29] =	ssyncadd.s32 $0xFFFFFFFF  }
0xb6: {  	_ =	strace $0x90000048  }
0xb7: {  	_ =	sfence  }
0xb8: {  	s30 =	sld [smem:$0x0];
	_ =	sdelay $0x2  }
0xb9: {  	s31 =	sshll.u32 s1, $0xD;
	s1 =	sshrl.u32 s1, $0x2  }
0xba: {  	s3 =	sand.u32 $0x4000, s31;
	s1 =	sadd.s32 s1, s30  }
0xbb: {  	s0 =	sor.u32 s3, s0;
	s1 =	sshll.u32 s1, $0x11  }
0xbc: {  	s0 =	sor.u32 s1, s0  }
0xbd: {  	s0 =	sadd.s32 $0x8F2B, s0  }
0xbe: {  	[sflag:s0] =	ssyncadd.remote.s32 $0x1  }
0xbf: {  	_ =	sfence.sel $0xFFFF  }
0xc0: {  	[dreg:$0x0] =	wrdreg $0xFFFFFFFF;
	(pc) =	sbr.abs _section_cstart, $3  }
0xc1: {  	[dreg:$0x1] =	wrdreg $0xFFFFFFFF  }
0xc2: {  	_ =	task.clear_ibuf [dreg:s7], $0x2FFFF;
	_ =	strace $0x9FFFFFFF  }
0xc3: {  	(tm) =	ssettm $0x7FFFFFFF  }
tec
execute0_lowered:
.L_overlay_start_1:
0x0: {  	(tag) =	ssettag $0x1  }
0x1: {  	s0 =	rddreg [dreg:$0x0]  }
0x2: {  	s8 =	rddreg [dreg:$0x1]  }
0x3: {  	s1 =	srdreg.scid;
	s2 =	rddreg [dreg:$0x2]  }
0x4: {  	s24 =	stileid.u32;
	s3 =	simm.s32 $0x0;
	s11 =	simm.s32 $0x9  }
0x5: {  	s12 =	simm.s32 $0x6400;
	s13 =	simm.s32 $0x80;
	s14 =	simm.s32 $0x6480  }
0x6: {  	s15 =	simm.s32 $0x8480;
	s17 =	simm.s32 $0xA480;
	s19 =	simm.s32 $0xC480  }
0x7: {  	s21 =	simm.s32 $0xE480;
	s23 =	simm.s32 $0x10480;
	s28 =	simm.s32 $0x14480  }
0x8: {  	s29 =	simm.s32 $0x1;
	s30 =	simm.s32 $0x2;
	s31 =	simm.s32 $0x3  }
0x9: {  	s16 =	simm.s32 $0x5;
	s18 =	simm.s32 $0x6;
	s5 =	sand.u32 $0x1, s1  }
0xa: {  	s20 =	simm.s32 $0x7;
	s22 =	simm.s32 $0x8;
	s4 =	sshll.u32 s5, $0x4  }
0xb: {  	[smem:$0x7FF] =	sst s3;
	s9 =	sshll.u32 s24, $0x4;
	s6 =	sor.u32 s24, s4  }
0xc: {  	s10 =	sshll.u32 s24, $0xD;
	_ =	strace $0x80000047;
	s7 =	smul.u32 $0xC80, s6  }
0xd: {  	s5 =	ssub.s32 $0x2, s5;
	s4 =	sadd.s32 $0x1600, s0;
	s26 =	sshll.u32 s6, $0xA  }
0xe: {  	s25 =	sshrl.u32 s5, $0x1;
	s8 =	sadd.s32 s8, s26;
	s7 =	sadd.s32 s7, s0  }
0xf: {  	s0 =	sadd.s32 s9, s0;
	s9 =	ssub.s32 s5, s25;
	s5 =	sadd.s32 s10, s2  }
0x10: {  	s10 =	simm.s32 $0x16480;
	s25 =	simm.s32 $0x12480;
	s6 =	sadd.s32 $0x7C1600, s7  }
0x11: {  	v0 =	vimm.f32 $0.0e+00;
	s7 =	sadd.s32 $0x7DA600, s0;
	s9 =	smax.u32 s9, $0x1;
	s0 =	simm.s32 $0x4  }
.LBB2_1:
0x12: {  	s26 =	simm.s32 $0x100;
	s24 =	simm.s32 $0x0  }
.LBB2_2:
0x13: {  	p0 =	sne.s32 s26, $0x7F00;
	[tilespmem:s24+$0x164B0] =	vst v0;
	s1 =	smov.u32 s26;
	s26 =	sadd.s32 $0x100, s26  }
.Ltmp0:
0x14: {  	[tilespmem:s24+$0x164A0] =	vst v0;
	(pc) =	sbr.rel @p0 .LBB2_2-.Ltmp0, $3  }
0x15: {  	[tilespmem:s24+$0x16480] =	vst v0  }
0x16: {  	[tilespmem:s24+$0x16490] =	vst v0;
	_ =	sdelay $0x1  }
0x17: {  	s24 =	sshra.s32 s1, $0x2  }
0x18: {  	[tilespmem:s24+$0x164B0] =	vst v0  }
0x19: {  	[tilespmem:s24+$0x164A0] =	vst v0  }
0x1a: {  	[tilespmem:s24+$0x16480] =	vst v0  }
0x1b: {  	[tilespmem:s24+$0x16490] =	vst v0  }
0x1c: {  	[spmem:s5] =	stream.linear.scatter [tilespmem:s10], [sflag:$0x9], $0x2000, $0x38;
	[tilespmem:$0x1A480] =	vst v63  }
0x1d: {  	_ =	swait.ge [sflag:s11], $0x2000  }
0x1e: {  	[sflag:s11] =	ssyncset.done $0x0  }
0x1f: {  	s1 =	simm.s32 $0x0;
	[sflag:s11] =	ssyncadd.s32 $0xFFFFE000  }
0x20: {  	[tilespmem:s1], [sflag:$0x9] =	stream.linear.gather [hbm4b:s6+s1], $0x6400, $0x38;
	[tilespmem:$0x1A480] =	vst v63  }
0x21: {  	_ =	swait.ge [sflag:s11], $0x6400  }
0x22: {  	[sflag:s11] =	ssyncset.done $0x0  }
0x23: {  	[sflag:s11] =	ssyncadd.s32 $0xFFFF9C00  }
0x24: {  	[tilespmem:s12], [sflag:$0x9] =	stream.linear.gather [hbm4b:s7+s1], $0x80, $0x38;
	[tilespmem:$0x1A480] =	vst v63  }
0x25: {  	_ =	swait.ge [sflag:s11], $0x80  }
0x26: {  	[sflag:s11] =	ssyncset.done $0x0  }
0x27: {  	[sflag:s11] =	ssyncadd.s32 $0xFFFFFF80  }
0x28: {  	[tilespmem:s14], [sflag:$0x1] =	stream.indirect.gather [hbm4b:s4+s13], $0x40, s1, s13, $0xb8;
	[tilespmem:$0x1A480] =	vst v63  }
0x29: {  	_ = 	snop  }
0x2a: {  	[tilespmem:s15], [sflag:$0x2] =	stream.indirect.gather [hbm4b:s4+s13], $0x40, s13, s13, $0xb8;
	[tilespmem:$0x1A480] =	vst v63  }
0x2b: {  	s26 =	simm.s32 $0x100  }
0x2c: {  	[tilespmem:s17], [sflag:$0x3] =	stream.indirect.gather [hbm4b:s4+s13], $0x40, s26, s13, $0xb8;
	[tilespmem:$0x1A480] =	vst v63  }
0x2d: {  	s24 =	simm.s32 $0x180  }
0x2e: {  	[tilespmem:s19], [sflag:$0x4] =	stream.indirect.gather [hbm4b:s4+s13], $0x40, s24, s13, $0xb8;
	[tilespmem:$0x1A480] =	vst v63  }
0x2f: {  	s26 =	simm.s32 $0x200  }
0x30: {  	[tilespmem:s21], [sflag:$0x5] =	stream.indirect.gather [hbm4b:s4+s13], $0x40, s26, s13, $0xb8;
	[tilespmem:$0x1A480] =	vst v63  }
0x31: {  	s24 =	simm.s32 $0x280  }
0x32: {  	[tilespmem:s23], [sflag:$0x6] =	stream.indirect.gather [hbm4b:s4+s13], $0x40, s24, s13, $0xb8;
	[tilespmem:$0x1A480] =	vst v63  }
0x33: {  	s26 =	simm.s32 $0x300  }
0x34: {  	[tilespmem:s25], [sflag:$0x7] =	stream.indirect.gather [hbm4b:s4+s13], $0x40, s26, s13, $0xb8;
	[tilespmem:$0x1A480] =	vst v63  }
0x35: {  	s24 =	simm.s32 $0x380  }
0x36: {  	[tilespmem:s28], [sflag:$0x8] =	stream.indirect.gather [hbm4b:s4+s13], $0x40, s24, s13, $0xb8;
	[tilespmem:$0x1A480] =	vst v63  }
0x37: {  	_ =	swait.ge [sflag:s29], $0x2000  }
0x38: {  	[sflag:s29] =	ssyncset.done $0x0  }
0x39: {  	[sflag:s29] =	ssyncadd.s32 $0xFFFFE000  }
0x3a: {  	[spmem:s2] =	stream.indirect.scatter.add.f32 [tilespmem:s14], [sflag:$0x9], $0x40, s12, s13, $0xb8;
	[tilespmem:$0x1A480] =	vst v63  }
0x3b: {  	_ =	swait.ge [sflag:s11], $0x2000  }
0x3c: {  	[sflag:s11] =	ssyncset.done $0x0  }
0x3d: {  	s26 =	simm.s32 $0x400;
	[sflag:s11] =	ssyncadd.s32 $0xFFFFE000  }
0x3e: {  	[tilespmem:s14], [sflag:$0x1] =	stream.indirect.gather [hbm4b:s4+s13], $0x40, s26, s13, $0xb8;
	[tilespmem:$0x1A480] =	vst v63  }
0x3f: {  	_ =	swait.ge [sflag:s30], $0x2000  }
0x40: {  	[sflag:s30] =	ssyncset.done $0x0  }
0x41: {  	[sflag:s30] =	ssyncadd.s32 $0xFFFFE000  }
0x42: {  	[spmem:s2] =	stream.indirect.scatter.add.f32 [tilespmem:s15], [sflag:$0x9], $0x40, s12, s13, $0xb8;
	[tilespmem:$0x1A480] =	vst v63  }
0x43: {  	_ =	swait.ge [sflag:s11], $0x2000  }
0x44: {  	[sflag:s11] =	ssyncset.done $0x0  }
0x45: {  	s24 =	simm.s32 $0x480;
	[sflag:s11] =	ssyncadd.s32 $0xFFFFE000  }
0x46: {  	[tilespmem:s15], [sflag:$0x2] =	stream.indirect.gather [hbm4b:s4+s13], $0x40, s24, s13, $0xb8;
	[tilespmem:$0x1A480] =	vst v63  }
0x47: {  	_ =	swait.ge [sflag:s31], $0x2000  }
0x48: {  	[sflag:s31] =	ssyncset.done $0x0  }
0x49: {  	[sflag:s31] =	ssyncadd.s32 $0xFFFFE000  }
0x4a: {  	[spmem:s2] =	stream.indirect.scatter.add.f32 [tilespmem:s17], [sflag:$0x9], $0x40, s12, s13, $0xb8;
	[tilespmem:$0x1A480] =	vst v63  }
0x4b: {  	_ =	swait.ge [sflag:s11], $0x2000  }
0x4c: {  	[sflag:s11] =	ssyncset.done $0x0  }
0x4d: {  	s26 =	simm.s32 $0x500;
	[sflag:s11] =	ssyncadd.s32 $0xFFFFE000  }
0x4e: {  	[tilespmem:s17], [sflag:$0x3] =	stream.indirect.gather [hbm4b:s4+s13], $0x40, s26, s13, $0xb8;
	[tilespmem:$0x1A480] =	vst v63  }
0x4f: {  	_ =	swait.ge [sflag:s0], $0x2000  }
0x50: {  	[sflag:s0] =	ssyncset.done $0x0  }
0x51: {  	[sflag:s0] =	ssyncadd.s32 $0xFFFFE000  }
0x52: {  	[spmem:s2] =	stream.indirect.scatter.add.f32 [tilespmem:s19], [sflag:$0x9], $0x40, s12, s13, $0xb8;
	[tilespmem:$0x1A480] =	vst v63  }
0x53: {  	_ =	swait.ge [sflag:s11], $0x2000  }
0x54: {  	[sflag:s11] =	ssyncset.done $0x0  }
0x55: {  	s24 =	simm.s32 $0x580;
	[sflag:s11] =	ssyncadd.s32 $0xFFFFE000  }
0x56: {  	[tilespmem:s19], [sflag:$0x4] =	stream.indirect.gather [hbm4b:s4+s13], $0x40, s24, s13, $0xb8;
	[tilespmem:$0x1A480] =	vst v63  }
0x57: {  	_ =	swait.ge [sflag:s16], $0x2000  }
0x58: {  	[sflag:s16] =	ssyncset.done $0x0  }
0x59: {  	[sflag:s16] =	ssyncadd.s32 $0xFFFFE000  }
0x5a: {  	[spmem:s2] =	stream.indirect.scatter.add.f32 [tilespmem:s21], [sflag:$0x9], $0x40, s12, s13, $0xb8;
	[tilespmem:$0x1A480] =	vst v63  }
0x5b: {  	_ =	swait.ge [sflag:s11], $0x2000  }
0x5c: {  	[sflag:s11] =	ssyncset.done $0x0  }
0x5d: {  	s26 =	simm.s32 $0x600;
	[sflag:s11] =	ssyncadd.s32 $0xFFFFE000  }
0x5e: {  	[tilespmem:s21], [sflag:$0x5] =	stream.indirect.gather [hbm4b:s4+s13], $0x40, s26, s13, $0xb8;
	[tilespmem:$0x1A480] =	vst v63  }
0x5f: {  	_ =	swait.ge [sflag:s18], $0x2000  }
0x60: {  	[sflag:s18] =	ssyncset.done $0x0  }
0x61: {  	[sflag:s18] =	ssyncadd.s32 $0xFFFFE000  }
0x62: {  	[spmem:s2] =	stream.indirect.scatter.add.f32 [tilespmem:s23], [sflag:$0x9], $0x40, s12, s13, $0xb8;
	[tilespmem:$0x1A480] =	vst v63  }
0x63: {  	_ =	swait.ge [sflag:s11], $0x2000  }
0x64: {  	[sflag:s11] =	ssyncset.done $0x0  }
0x65: {  	s24 =	simm.s32 $0x680;
	[sflag:s11] =	ssyncadd.s32 $0xFFFFE000  }
0x66: {  	[tilespmem:s23], [sflag:$0x6] =	stream.indirect.gather [hbm4b:s4+s13], $0x40, s24, s13, $0xb8;
	[tilespmem:$0x1A480] =	vst v63  }
0x67: {  	_ =	swait.ge [sflag:s20], $0x2000  }
0x68: {  	[sflag:s20] =	ssyncset.done $0x0  }
0x69: {  	[sflag:s20] =	ssyncadd.s32 $0xFFFFE000  }
0x6a: {  	[spmem:s2] =	stream.indirect.scatter.add.f32 [tilespmem:s25], [sflag:$0x9], $0x40, s12, s13, $0xb8;
	[tilespmem:$0x1A480] =	vst v63  }
0x6b: {  	_ =	swait.ge [sflag:s11], $0x2000  }
0x6c: {  	[sflag:s11] =	ssyncset.done $0x0  }
0x6d: {  	s26 =	simm.s32 $0x700;
	[sflag:s11] =	ssyncadd.s32 $0xFFFFE000  }
0x6e: {  	[tilespmem:s25], [sflag:$0x7] =	stream.indirect.gather [hbm4b:s4+s13], $0x40, s26, s13, $0xb8;
	[tilespmem:$0x1A480] =	vst v63  }
0x6f: {  	_ =	swait.ge [sflag:s22], $0x2000  }
0x70: {  	[sflag:s22] =	ssyncset.done $0x0  }
0x71: {  	[sflag:s22] =	ssyncadd.s32 $0xFFFFE000  }
0x72: {  	[spmem:s2] =	stream.indirect.scatter.add.f32 [tilespmem:s28], [sflag:$0x9], $0x40, s12, s13, $0xb8;
	[tilespmem:$0x1A480] =	vst v63  }
0x73: {  	_ =	swait.ge [sflag:s11], $0x2000  }
0x74: {  	[sflag:s11] =	ssyncset.done $0x0  }
0x75: {  	s24 =	simm.s32 $0x1000;
	s26 =	simm.s32 $0x780;
	[sflag:s11] =	ssyncadd.s32 $0xFFFFE000  }
.LBB2_4:
0x76: {  	[tilespmem:s28], [sflag:$0x8] =	stream.indirect.gather [hbm4b:s4+s13], $0x40, s26, s13, $0xb8;
	[tilespmem:$0x1A480] =	vst v63  }
0x77: {  	s1 =	smov.u32 s24  }
0x78: {  	p0 =	sne.s32 s24, $0x17000;
	s24 =	sadd.s32 $0x1000, s24;
	_ =	swait.ge [sflag:s29], $0x2000  }
0x79: {  	[sflag:s29] =	ssyncset.done $0x0  }
0x7a: {  	[sflag:s29] =	ssyncadd.s32 $0xFFFFE000  }
0x7b: {  	[spmem:s2] =	stream.indirect.scatter.add.f32 [tilespmem:s14], [sflag:$0x9], $0x40, s12, s13, $0xb8;
	[tilespmem:$0x1A480] =	vst v63  }
0x7c: {  	_ =	swait.ge [sflag:s11], $0x2000  }
0x7d: {  	s26 =	sshra.s32 s1, $0x2;
	[sflag:s11] =	ssyncset.done $0x0  }
0x7e: {  	s1 =	sadd.s32 $0x400, s26;
	[sflag:s11] =	ssyncadd.s32 $0xFFFFE000  }
0x7f: {  	[tilespmem:s14], [sflag:$0x1] =	stream.indirect.gather [hbm4b:s4+s13], $0x40, s1, s13, $0xb8;
	[tilespmem:$0x1A480] =	vst v63  }
0x80: {  	_ =	swait.ge [sflag:s30], $0x2000  }
0x81: {  	[sflag:s30] =	ssyncset.done $0x0  }
0x82: {  	[sflag:s30] =	ssyncadd.s32 $0xFFFFE000  }
0x83: {  	[spmem:s2] =	stream.indirect.scatter.add.f32 [tilespmem:s15], [sflag:$0x9], $0x40, s12, s13, $0xb8;
	[tilespmem:$0x1A480] =	vst v63  }
0x84: {  	_ =	swait.ge [sflag:s11], $0x2000  }
0x85: {  	[sflag:s11] =	ssyncset.done $0x0  }
0x86: {  	s1 =	sadd.s32 $0x480, s26;
	[sflag:s11] =	ssyncadd.s32 $0xFFFFE000  }
0x87: {  	[tilespmem:s15], [sflag:$0x2] =	stream.indirect.gather [hbm4b:s4+s13], $0x40, s1, s13, $0xb8;
	[tilespmem:$0x1A480] =	vst v63  }
0x88: {  	_ =	swait.ge [sflag:s31], $0x2000  }
0x89: {  	[sflag:s31] =	ssyncset.done $0x0  }
0x8a: {  	[sflag:s31] =	ssyncadd.s32 $0xFFFFE000  }
0x8b: {  	[spmem:s2] =	stream.indirect.scatter.add.f32 [tilespmem:s17], [sflag:$0x9], $0x40, s12, s13, $0xb8;
	[tilespmem:$0x1A480] =	vst v63  }
0x8c: {  	_ =	swait.ge [sflag:s11], $0x2000  }
0x8d: {  	[sflag:s11] =	ssyncset.done $0x0  }
0x8e: {  	s1 =	sadd.s32 $0x500, s26;
	[sflag:s11] =	ssyncadd.s32 $0xFFFFE000  }
0x8f: {  	[tilespmem:s17], [sflag:$0x3] =	stream.indirect.gather [hbm4b:s4+s13], $0x40, s1, s13, $0xb8;
	[tilespmem:$0x1A480] =	vst v63  }
0x90: {  	_ =	swait.ge [sflag:s0], $0x2000  }
0x91: {  	[sflag:s0] =	ssyncset.done $0x0  }
0x92: {  	[sflag:s0] =	ssyncadd.s32 $0xFFFFE000  }
0x93: {  	[spmem:s2] =	stream.indirect.scatter.add.f32 [tilespmem:s19], [sflag:$0x9], $0x40, s12, s13, $0xb8;
	[tilespmem:$0x1A480] =	vst v63  }
0x94: {  	_ =	swait.ge [sflag:s11], $0x2000  }
0x95: {  	[sflag:s11] =	ssyncset.done $0x0  }
0x96: {  	s1 =	sadd.s32 $0x580, s26;
	[sflag:s11] =	ssyncadd.s32 $0xFFFFE000  }
0x97: {  	[tilespmem:s19], [sflag:$0x4] =	stream.indirect.gather [hbm4b:s4+s13], $0x40, s1, s13, $0xb8;
	[tilespmem:$0x1A480] =	vst v63  }
0x98: {  	_ =	swait.ge [sflag:s16], $0x2000  }
0x99: {  	[sflag:s16] =	ssyncset.done $0x0  }
0x9a: {  	[sflag:s16] =	ssyncadd.s32 $0xFFFFE000  }
0x9b: {  	[spmem:s2] =	stream.indirect.scatter.add.f32 [tilespmem:s21], [sflag:$0x9], $0x40, s12, s13, $0xb8;
	[tilespmem:$0x1A480] =	vst v63  }
0x9c: {  	_ =	swait.ge [sflag:s11], $0x2000  }
0x9d: {  	[sflag:s11] =	ssyncset.done $0x0  }
0x9e: {  	s1 =	sadd.s32 $0x600, s26;
	[sflag:s11] =	ssyncadd.s32 $0xFFFFE000  }
0x9f: {  	[tilespmem:s21], [sflag:$0x5] =	stream.indirect.gather [hbm4b:s4+s13], $0x40, s1, s13, $0xb8;
	[tilespmem:$0x1A480] =	vst v63  }
0xa0: {  	_ =	swait.ge [sflag:s18], $0x2000  }
0xa1: {  	[sflag:s18] =	ssyncset.done $0x0  }
0xa2: {  	[sflag:s18] =	ssyncadd.s32 $0xFFFFE000  }
0xa3: {  	[spmem:s2] =	stream.indirect.scatter.add.f32 [tilespmem:s23], [sflag:$0x9], $0x40, s12, s13, $0xb8;
	[tilespmem:$0x1A480] =	vst v63  }
0xa4: {  	_ =	swait.ge [sflag:s11], $0x2000  }
0xa5: {  	[sflag:s11] =	ssyncset.done $0x0  }
0xa6: {  	s1 =	sadd.s32 $0x680, s26;
	[sflag:s11] =	ssyncadd.s32 $0xFFFFE000  }
0xa7: {  	[tilespmem:s23], [sflag:$0x6] =	stream.indirect.gather [hbm4b:s4+s13], $0x40, s1, s13, $0xb8;
	[tilespmem:$0x1A480] =	vst v63  }
0xa8: {  	_ =	swait.ge [sflag:s20], $0x2000  }
0xa9: {  	[sflag:s20] =	ssyncset.done $0x0  }
0xaa: {  	[sflag:s20] =	ssyncadd.s32 $0xFFFFE000  }
0xab: {  	[spmem:s2] =	stream.indirect.scatter.add.f32 [tilespmem:s25], [sflag:$0x9], $0x40, s12, s13, $0xb8;
	[tilespmem:$0x1A480] =	vst v63  }
0xac: {  	_ =	swait.ge [sflag:s11], $0x2000  }
0xad: {  	[sflag:s11] =	ssyncset.done $0x0  }
0xae: {  	s1 =	sadd.s32 $0x700, s26;
	[sflag:s11] =	ssyncadd.s32 $0xFFFFE000  }
0xaf: {  	[tilespmem:s25], [sflag:$0x7] =	stream.indirect.gather [hbm4b:s4+s13], $0x40, s1, s13, $0xb8;
	[tilespmem:$0x1A480] =	vst v63  }
0xb0: {  	_ =	swait.ge [sflag:s22], $0x2000  }
0xb1: {  	[sflag:s22] =	ssyncset.done $0x0  }
.Ltmp1:
0xb2: {  	[sflag:s22] =	ssyncadd.s32 $0xFFFFE000;
	(pc) =	sbr.rel @p0 .LBB2_4-.Ltmp1, $4  }
0xb3: {  	[spmem:s2] =	stream.indirect.scatter.add.f32 [tilespmem:s28], [sflag:$0x9], $0x40, s12, s13, $0xb8;
	[tilespmem:$0x1A480] =	vst v63  }
0xb4: {  	_ =	swait.ge [sflag:s11], $0x2000  }
0xb5: {  	[sflag:s11] =	ssyncset.done $0x0  }
0xb6: {  	s26 =	sadd.s32 $0x780, s26;
	[sflag:s11] =	ssyncadd.s32 $0xFFFFE000  }
0xb7: {  	[tilespmem:s28], [sflag:$0x8] =	stream.indirect.gather [hbm4b:s4+s13], $0x40, s26, s13, $0xb8;
	[tilespmem:$0x1A480] =	vst v63  }
0xb8: {  	_ =	swait.ge [sflag:s29], $0x2000  }
0xb9: {  	[sflag:s29] =	ssyncset.done $0x0  }
0xba: {  	[sflag:s29] =	ssyncadd.s32 $0xFFFFE000  }
0xbb: {  	[spmem:s2] =	stream.indirect.scatter.add.f32 [tilespmem:s14], [sflag:$0x9], $0x40, s12, s13, $0xb8;
	[tilespmem:$0x1A480] =	vst v63  }
0xbc: {  	_ =	swait.ge [sflag:s11], $0x2000  }
0xbd: {  	[sflag:s11] =	ssyncset.done $0x0  }
0xbe: {  	[sflag:s11] =	ssyncadd.s32 $0xFFFFE000  }
0xbf: {  	_ =	swait.ge [sflag:s30], $0x2000  }
0xc0: {  	[sflag:s30] =	ssyncset.done $0x0  }
0xc1: {  	[sflag:s30] =	ssyncadd.s32 $0xFFFFE000  }
0xc2: {  	[spmem:s2] =	stream.indirect.scatter.add.f32 [tilespmem:s15], [sflag:$0x9], $0x40, s12, s13, $0xb8;
	[tilespmem:$0x1A480] =	vst v63  }
0xc3: {  	_ =	swait.ge [sflag:s11], $0x2000  }
0xc4: {  	[sflag:s11] =	ssyncset.done $0x0  }
0xc5: {  	[sflag:s11] =	ssyncadd.s32 $0xFFFFE000  }
0xc6: {  	_ =	swait.ge [sflag:s31], $0x2000  }
0xc7: {  	[sflag:s31] =	ssyncset.done $0x0  }
0xc8: {  	[sflag:s31] =	ssyncadd.s32 $0xFFFFE000  }
0xc9: {  	[spmem:s2] =	stream.indirect.scatter.add.f32 [tilespmem:s17], [sflag:$0x9], $0x40, s12, s13, $0xb8;
	[tilespmem:$0x1A480] =	vst v63  }
0xca: {  	_ =	swait.ge [sflag:s11], $0x2000  }
0xcb: {  	[sflag:s11] =	ssyncset.done $0x0  }
0xcc: {  	[sflag:s11] =	ssyncadd.s32 $0xFFFFE000  }
0xcd: {  	_ =	swait.ge [sflag:s0], $0x2000  }
0xce: {  	[sflag:s0] =	ssyncset.done $0x0  }
0xcf: {  	[sflag:s0] =	ssyncadd.s32 $0xFFFFE000  }
0xd0: {  	[spmem:s2] =	stream.indirect.scatter.add.f32 [tilespmem:s19], [sflag:$0x9], $0x40, s12, s13, $0xb8;
	[tilespmem:$0x1A480] =	vst v63  }
0xd1: {  	_ =	swait.ge [sflag:s11], $0x2000  }
0xd2: {  	[sflag:s11] =	ssyncset.done $0x0  }
0xd3: {  	[sflag:s11] =	ssyncadd.s32 $0xFFFFE000  }
0xd4: {  	_ =	swait.ge [sflag:s16], $0x2000  }
0xd5: {  	[sflag:s16] =	ssyncset.done $0x0  }
0xd6: {  	[sflag:s16] =	ssyncadd.s32 $0xFFFFE000  }
0xd7: {  	[spmem:s2] =	stream.indirect.scatter.add.f32 [tilespmem:s21], [sflag:$0x9], $0x40, s12, s13, $0xb8;
	[tilespmem:$0x1A480] =	vst v63  }
0xd8: {  	_ =	swait.ge [sflag:s11], $0x2000  }
0xd9: {  	[sflag:s11] =	ssyncset.done $0x0  }
0xda: {  	[sflag:s11] =	ssyncadd.s32 $0xFFFFE000  }
0xdb: {  	_ =	swait.ge [sflag:s18], $0x2000  }
0xdc: {  	[sflag:s18] =	ssyncset.done $0x0  }
0xdd: {  	[sflag:s18] =	ssyncadd.s32 $0xFFFFE000  }
0xde: {  	[spmem:s2] =	stream.indirect.scatter.add.f32 [tilespmem:s23], [sflag:$0x9], $0x40, s12, s13, $0xb8;
	[tilespmem:$0x1A480] =	vst v63  }
0xdf: {  	_ =	swait.ge [sflag:s11], $0x2000  }
0xe0: {  	[sflag:s11] =	ssyncset.done $0x0  }
0xe1: {  	[sflag:s11] =	ssyncadd.s32 $0xFFFFE000  }
0xe2: {  	_ =	swait.ge [sflag:s20], $0x2000  }
0xe3: {  	[sflag:s20] =	ssyncset.done $0x0  }
0xe4: {  	[sflag:s20] =	ssyncadd.s32 $0xFFFFE000  }
0xe5: {  	[spmem:s2] =	stream.indirect.scatter.add.f32 [tilespmem:s25], [sflag:$0x9], $0x40, s12, s13, $0xb8;
	[tilespmem:$0x1A480] =	vst v63  }
0xe6: {  	_ =	swait.ge [sflag:s11], $0x2000  }
0xe7: {  	[sflag:s11] =	ssyncset.done $0x0  }
0xe8: {  	[sflag:s11] =	ssyncadd.s32 $0xFFFFE000  }
0xe9: {  	_ =	swait.ge [sflag:s22], $0x2000  }
0xea: {  	[sflag:s22] =	ssyncset.done $0x0  }
0xeb: {  	[sflag:s22] =	ssyncadd.s32 $0xFFFFE000  }
0xec: {  	[spmem:s2] =	stream.indirect.scatter.add.f32 [tilespmem:s28], [sflag:$0x9], $0x40, s12, s13, $0xb8;
	[tilespmem:$0x1A480] =	vst v63  }
0xed: {  	_ =	swait.ge [sflag:s11], $0x2000  }
0xee: {  	[sflag:s11] =	ssyncset.done $0x0  }
0xef: {  	s1 =	stileid.u32;
	[sflag:s11] =	ssyncadd.s32 $0xFFFFE000  }
0xf0: {  	[spmem:s2] =	stream.indirect.scatter.add.f32 [tilespmem:s10], [sflag:$0x9], $0x40, s12, s13, $0xb8;
	[tilespmem:$0x1A480] =	vst v63  }
0xf1: {  	s24 =	sshrl.u32 s5, $0x3;
	s3 =	sadd.s32 $0x1, s3;
	_ =	swait.ge [sflag:s11], $0x2000  }
0xf2: {  	s1 =	sshll.u32 s1, $0x6;
	p0 =	sne.s32 s3, s9;
	[sflag:s11] =	ssyncset.done $0x0  }
.Ltmp2:
0xf3: {  	s1 =	sor.u32 $0x1C09, s1;
	[sflag:s11] =	ssyncadd.s32 $0xFFFFE000;
	(pc) =	sbr.rel @p0 .LBB2_1-.Ltmp2, $4  }
0xf4: {  	[hbm:s8], [sflag:s1] =	dma.local [spmem:s24], $0x400  }
0xf5: {  	_ =	swait.ge [sflag:s11], $0x400  }
0xf6: {  	[sflag:s11] =	ssyncset.done $0x0  }
0xf7: {  	[sflag:s11] =	ssyncadd.s32 $0xFFFFFC00  }
0xf8: {  	_ =	sfence.sel $0x180000  }
0xf9: {  	[bflag:$0x0] =	sbarrier.arrive $0xFFFF  }
0xfa: {  	_ =	strace $0x90000047  }
0xfb: {  	s0 =	stileid.u32;
	[bflag:$0x2] =	sbarrier.arrive $0xFFFF  }
0xfc: {  	p0 =	sne.s32 s0, $0x0;
	s0 =	rddreg [dreg:$0x3]  }
0xfd: {  	s0 =	sadd.s32 @!p0 $0x100000, s0  }
0xfe: {  	[sflag:s0] =	ssyncadd.tile.s32 @!p0 $0x1;
	_ =	shalt  }
.Lfunc_end2:
_tile_overlayer_lowered:
.L_overlay_start_2:
0xff: {  	(tag) =	ssettag $0x2  }
0x100: {  	s0 =	rddreg [dreg:$0x0];
	s2 =	stileid.u32  }
0x101: {  	s1 =	rddreg [dreg:$0x1];
	p0 =	sne.s32 s2, $0x0  }
0x102: {  	s3 =	rddreg [dreg:$0x2];
	[bflag:$0x3] =	sbarrier.arrive $0xFFFF;
	s2 =	simm.s32 @!p0 $0x1C09  }
0x103: {  	[timem:s3], [sflag:s2] =	dma.local @!p0 [hbm:s0], s1  }
0x104: {  	s0 =	simm.s32 @!p0 $0x9  }
0x105: {  	_ =	swait.ge @!p0 [sflag:s0], s1  }
0x106: {  	s1 =	ssub.s32 @!p0 $0x0, s1;
	[sflag:s0] =	ssyncset.done @!p0 $0x0  }
0x107: {  	[sflag:s0] =	ssyncadd.s32 @!p0 s1  }
0x108: {  	[bflag:$0x3] =	sbarrier.arrive $0xFFFF  }
0x109: {  	_ =	shalt  }

</sc_bundles>
